<compile_context>
chip_gen: v7x
topology: tpu7x:2x2x1
jax: 0.10.2.dev20260603
libtpu: 0.0.44.dev20260713+nightly
codegen_flags: <defaults>
</compile_context>

<pallas_src>
import functools

import jax
import jax.numpy as jnp
from jax import lax
from jax.experimental import pallas as pl
from jax.experimental.pallas import tpu as pltpu
from jax.experimental.pallas import tpu_sc as plsc

B, S, D = 2, 2048, 1024
E, K = 8, 2
N = B * S
TILE = 256
NSLOT = N * K + E * TILE
NT = NSLOT // TILE
NC, NS = 2, 16
NW = NC * NS
TPW = N // NW


def _cumsum_rows(a):
    n = a.shape[0]
    k = 1
    while k < n:
        shifted = jnp.concatenate(
            [jnp.zeros((k, a.shape[1]), a.dtype), a[:-k]], axis=0)
        a = a + shifted
        k *= 2
    return a


def _cumsum_lanes(a):
    n = a.shape[1]
    k = 1
    while k < n:
        shifted = jnp.concatenate(
            [jnp.zeros((a.shape[0], k), a.dtype), a[:, :-k]], axis=1)
        a = a + shifted
        k *= 2
    return a


def _route_kernel(x_ref, wg_ref, pos1_ref, pos2_ref, tmap_ref, w1_ref,
                  w2_ref):
    logits = jax.lax.dot_general(
        x_ref[...], wg_ref[...], (((1,), (1,)), ((), ())),
        preferred_element_type=jnp.float32)
    lane = jax.lax.broadcasted_iota(jnp.int32, logits.shape, 1)
    m1 = jnp.max(logits, axis=1, keepdims=True)
    i1 = jnp.min(jnp.where(logits == m1, lane, E), axis=1, keepdims=True)
    masked = jnp.where(lane == i1, -jnp.inf, logits)
    m2 = jnp.max(masked, axis=1, keepdims=True)
    i2 = jnp.min(jnp.where(masked == m2, lane, E), axis=1, keepdims=True)
    z = jnp.exp(m2 - m1)
    w1_ref[...] = 1.0 / (1.0 + z)
    w2_ref[...] = z / (1.0 + z)

    oh1 = (lane == i1).astype(jnp.int32)
    oh2 = (lane == i2).astype(jnp.int32)
    c1 = _cumsum_rows(oh1)
    c2 = _cumsum_rows(oh2)
    cnt1 = c1[N - 1:N, :]
    cnt = cnt1 + c2[N - 1:N, :]
    padded = ((cnt + (TILE - 1)) // TILE) * TILE
    offs = _cumsum_lanes(padded) - padded

    pos1_ref[...] = jnp.sum(oh1 * (offs + c1 - 1), axis=1, keepdims=True)
    pos2_ref[...] = jnp.sum(oh2 * (offs + cnt1 + c2 - 1), axis=1,
                            keepdims=True)

    tile_start = jax.lax.broadcasted_iota(jnp.int32, (NT, E), 0) * TILE
    offs_b = jnp.broadcast_to(offs, (NT, E))
    tmap_ref[...] = jnp.sum((offs_b <= tile_start).astype(jnp.int32),
                            axis=1, keepdims=True) - 1


def _router(xf, Wg):
    pos1, pos2, tmap, w1, w2 = pl.pallas_call(
        _route_kernel,
        grid=(1,),
        in_specs=[
            pl.BlockSpec((N, D), lambda i: (0, 0)),
            pl.BlockSpec((E, D), lambda i: (0, 0)),
        ],
        out_specs=[
            pl.BlockSpec((N, 1), lambda i: (0, 0)),
            pl.BlockSpec((N, 1), lambda i: (0, 0)),
            pl.BlockSpec((NT, 1), lambda i: (0, 0)),
            pl.BlockSpec((N, 1), lambda i: (0, 0)),
            pl.BlockSpec((N, 1), lambda i: (0, 0)),
        ],
        out_shape=[
            jax.ShapeDtypeStruct((N, 1), jnp.int32),
            jax.ShapeDtypeStruct((N, 1), jnp.int32),
            jax.ShapeDtypeStruct((NT, 1), jnp.int32),
            jax.ShapeDtypeStruct((N, 1), jnp.float32),
            jax.ShapeDtypeStruct((N, 1), jnp.float32),
        ],
    )(xf, Wg)
    return w1, w2, pos1, pos2, tmap


def _sc_mesh():
    return plsc.VectorSubcoreMesh(core_axis_name="c", subcore_axis_name="s",
                                  num_cores=NC, num_subcores=NS)


_DSUB = 64


def _sc_dispatch_body(x_hbm, pos1_hbm, pos2_hbm, xg_hbm, idx_v, rows_v):
    wid = lax.axis_index("s") * NC + lax.axis_index("c")
    base = wid * TPW

    @pl.loop(0, TPW // _DSUB)
    def _(j):
        off = base + j * _DSUB
        pltpu.sync_copy(x_hbm.at[pl.ds(off, _DSUB)], rows_v)
        pltpu.sync_copy(pos1_hbm.at[pl.ds(off, _DSUB)], idx_v)
        pltpu.sync_copy(rows_v, xg_hbm.at[idx_v])
        pltpu.sync_copy(pos2_hbm.at[pl.ds(off, _DSUB)], idx_v)
        pltpu.sync_copy(rows_v, xg_hbm.at[idx_v])


def _gemm_kernel(tmap_ref, xg_ref, wb_ref, yb_ref):
    e = tmap_ref[pl.program_id(0)]
    yb_ref[...] = jax.lax.dot_general(
        xg_ref[...].astype(jnp.bfloat16), wb_ref[pl.ds(e, 1)][0],
        (((1,), (1,)), ((), ())), preferred_element_type=jnp.float32)


def _gemm(tmap, xg, Wb):
    return pl.pallas_call(
        _gemm_kernel,
        grid_spec=pltpu.PrefetchScalarGridSpec(
            num_scalar_prefetch=1,
            grid=(NT,),
            in_specs=[
                pl.BlockSpec((TILE, D), lambda i, tm: (i, 0)),
                pl.BlockSpec((E, D, D), lambda i, tm: (0, 0, 0)),
            ],
            out_specs=pl.BlockSpec((TILE, D), lambda i, tm: (i, 0)),
        ),
        out_shape=jax.ShapeDtypeStruct((NSLOT, D), jnp.float32),
    )(tmap, xg, Wb)


_SUB = 32


def _sc_combine_body(yb_hbm, pos1_hbm, pos2_hbm, g_hbm, idx_v, rows_v, sem):
    wid = lax.axis_index("s") * NC + lax.axis_index("c")
    base = wid * TPW

    @pl.loop(0, TPW // _SUB)
    def _(j):
        off = base + j * _SUB
        pltpu.sync_copy(pos1_hbm.at[pl.ds(off, _SUB)], idx_v)
        pltpu.async_copy(yb_hbm.at[idx_v], rows_v, sem).wait()
        pltpu.sync_copy(rows_v, g_hbm.at[pl.ds(off, _SUB)])
        pltpu.sync_copy(pos2_hbm.at[pl.ds(off, _SUB)], idx_v)
        pltpu.async_copy(yb_hbm.at[idx_v], rows_v, sem).wait()
        pltpu.sync_copy(rows_v, g_hbm.at[pl.ds(N + off, _SUB)])


def _add_kernel(a_ref, b_ref, w1_ref, w2_ref, o_ref):
    o_ref[...] = w1_ref[...] * a_ref[...] + w2_ref[...] * b_ref[...]


def _final_add(g, w1, w2):
    return pl.pallas_call(
        _add_kernel,
        grid=(4,),
        in_specs=[
            pl.BlockSpec((N // 4, D), lambda i: (i, 0)),
            pl.BlockSpec((N // 4, D), lambda i: (4 + i, 0)),
            pl.BlockSpec((N // 4, 1), lambda i: (i, 0)),
            pl.BlockSpec((N // 4, 1), lambda i: (i, 0)),
        ],
        out_specs=pl.BlockSpec((N // 4, D), lambda i: (i, 0)),
        out_shape=jax.ShapeDtypeStruct((N, D), jnp.float32),
    )(g, g, w1, w2)


@jax.jit
def kernel(x, Wg, Wexp):
    xf = x.reshape(N, D)
    Wbt = Wexp.astype(jnp.bfloat16)
    w1, w2, pos1, pos2, tmap = _router(xf, Wg)
    pos1 = pos1.reshape(N)
    pos2 = pos2.reshape(N)
    tmap = tmap.reshape(NT)
    xg = pl.kernel(
        _sc_dispatch_body, mesh=_sc_mesh(),
        out_type=jax.ShapeDtypeStruct((NSLOT, D), jnp.float32),
        scratch_types=[
            pltpu.VMEM((_DSUB,), jnp.int32),
            pltpu.VMEM((_DSUB, D), jnp.float32),
        ],
    )(xf, pos1, pos2)
    yb = _gemm(tmap, xg, Wbt)
    g = pl.kernel(
        _sc_combine_body, mesh=_sc_mesh(),
        out_type=jax.ShapeDtypeStruct((2 * N, D), jnp.float32),
        scratch_types=[
            pltpu.VMEM((_SUB,), jnp.int32),
            pltpu.VMEM((_SUB, D), jnp.float32),
            pltpu.SemaphoreType.DMA,
        ],
    )(yb, pos1, pos2)
    out = _final_add(g, w1, w2)
    return out.reshape(B, S, D)

# --- scband reference (transcript-rebuilt; emitter-appended) ---
"""Pipeline reference for scband-mo-e-30416958390574 (READ-ONLY COPY).

The authoritative reference and input builder live on the scoring server;
editing this copy changes nothing except your own understanding.
"""

import jax, jax.numpy as jnp
import numpy as np

B, S, D = 2, 2048, 1024
E, K = 8, 2

def setup_inputs(seed: int = 0) -> dict:
    key = jax.random.key(seed)
    k1, k2, k3 = jax.random.split(key, 3)
    x = jax.random.normal(k1, (B, S, D), dtype=jnp.float32)
    # gate: nn.Linear(d_model, n_experts, bias=False) -> weight [E, D]
    Wg = jax.random.normal(k2, (E, D), dtype=jnp.float32) * 0.02
    # experts: E x nn.Linear(d_model, d_model, bias=False) -> stacked weight [E, D, D] (out, in)
    Wexp = jax.random.normal(k3, (E, D, D), dtype=jnp.float32) * 0.02
    return {"x": x, "Wg": Wg, "Wexp": Wexp}

def reference(x, Wg, Wexp):
    # gate logits: x @ Wg.T  -> [B, S, E]
    logits = jnp.einsum('bsd,ed->bse', x, Wg)
    # top-k over experts, softmax over the selected logits
    w, idx = jax.lax.top_k(logits, K)          # [B, S, K]
    w = jax.nn.softmax(w, axis=-1)             # [B, S, K]
    # scatter top-k weights back to a dense per-expert gate [B, S, E]
    # (top-k indices are distinct per token, so summing the one-hots is exact)
    onehot = jax.nn.one_hot(idx, E, dtype=x.dtype)   # [B, S, K, E]
    gate = jnp.sum(w[..., None] * onehot, axis=2)    # [B, S, E]
    # each expert is a bias-free linear: y_e = x @ W_e.T
    y_all = jnp.einsum('bsf,edf->bsed', x, Wexp)     # [B, S, E, D]
    # combine: sum_e gate[...,e] * y_e  (equals the torch masked per-expert loop)
    out = jnp.sum(gate[..., None] * y_all, axis=2)   # [B, S, D]
    # dropout p=0.0 -> identity
    return out

if __name__ == "__main__":
    import jax
    _d = setup_inputs()
    print(jax.jit(kernel)(*tuple(_d.values())))

</pallas_src>

<mosaic_0001>
#map = affine_map<(d0, d1) -> (0, 0)>
#map1 = affine_map<(d0, d1) -> (0)>
module attributes {stable_mosaic.version = 14 : i64} {
  func.func @_sc_dispatch_body(%arg0: i32, %arg1: i32, %arg2: memref<4096x1024xf32, #tpu.memory_space<hbm>>, %arg3: memref<4096xi32, #tpu.memory_space<hbm>>, %arg4: memref<4096xi32, #tpu.memory_space<hbm>>, %arg5: memref<10240x1024xf32, #tpu.memory_space<hbm>>, %arg6: memref<64xi32, #tpu.memory_space<vmem>>, %arg7: memref<64x1024xf32, #tpu.memory_space<vmem>>) attributes {dimension_semantics = [#tpu.dimension_semantics<core_parallel>, #tpu.dimension_semantics<subcore_parallel>], iteration_bounds = array<i64: 2, 16>, scalar_prefetch = 0 : i64, scratch_operands = 2 : i64, tpu.core_type = #tpu.core_type<sc_vector_subcore>, window_params = [{transform_indices = #map}, {transform_indices = #map1}, {transform_indices = #map1}, {transform_indices = #map}]} {
    %mul3A = arith.constant 2 : i32
    %mul3A_0 = arith.muli %arg1, %mul3A : i32
    %add3A = arith.addi %mul3A_0, %arg0 : i32
    %mul3A_1 = arith.constant 128 : i32
    %mul3A_2 = arith.muli %add3A, %mul3A_1 : i32
    %scan3A = arith.constant 0 : i32
    %scan3A_3 = arith.constant 2 : i32
    %scan3A_4 = arith.addi %scan3A, %scan3A_3 : i32
    %scan3A_5 = arith.constant 1 : i32
    scf.for %scan3A_7 = %scan3A to %scan3A_4 step %scan3A_5  : i32 {
      %mul3A_8 = arith.constant 1 : i32
      %mul3A_9 = arith.muli %scan3A_7, %mul3A_8 : i32
      %add3A_10 = arith.constant 0 : i32
      %add3A_11 = arith.addi %add3A_10, %mul3A_9 : i32
      %mul3A_12 = arith.constant 64 : i32
      %mul3A_13 = arith.muli %add3A_11, %mul3A_12 : i32
      %add3A_14 = arith.addi %mul3A_2, %mul3A_13 : i32
      "tpu.region"() ({
        %run_scoped3A = tpu.sem_alloc : memref<!tpu.dma_semaphore, #tpu.memory_space<semaphore_mem>>
        %dma_start3A = arith.constant 0 : i32
        %dma_start3A_15 = tpu.memref_slice %arg2[%add3A_14, %dma_start3A] : memref<4096x1024xf32, #tpu.memory_space<hbm>> -> memref<64x1024xf32, #tpu.memory_space<hbm>>
        %dma_start3A_16 = arith.constant 0 : i32
        %dma_start3A_17 = tpu.memref_slice %arg2[%add3A_14, %dma_start3A_16] : memref<4096x1024xf32, #tpu.memory_space<hbm>> -> memref<64x1024xf32, #tpu.memory_space<hbm>>
        tpu.enqueue_dma source(%dma_start3A_17 : memref<64x1024xf32, #tpu.memory_space<hbm>>) target(%arg7 : memref<64x1024xf32, #tpu.memory_space<vmem>>) target_semaphore(%run_scoped3A : memref<!tpu.dma_semaphore, #tpu.memory_space<semaphore_mem>>)
        %dma_wait3A = arith.constant 0 : i32
        %dma_wait3A_18 = tpu.memref_slice %arg2[%add3A_14, %dma_wait3A] : memref<4096x1024xf32, #tpu.memory_space<hbm>> -> memref<64x1024xf32, #tpu.memory_space<hbm>>
        %dma_wait3A_19 = arith.constant 0 : i32
        %dma_wait3A_20 = tpu.memref_slice %arg2[%add3A_14, %dma_wait3A_19] : memref<4096x1024xf32, #tpu.memory_space<hbm>> -> memref<64x1024xf32, #tpu.memory_space<hbm>>
        tpu.wait_dma2 semaphore(%run_scoped3A : memref<!tpu.dma_semaphore, #tpu.memory_space<semaphore_mem>>) src(%dma_wait3A_20 : memref<64x1024xf32, #tpu.memory_space<hbm>>) dst(%arg7 : memref<64x1024xf32, #tpu.memory_space<vmem>>)
        tpu.yield
      }) : () -> ()
      "tpu.region"() ({
        %run_scoped3A = tpu.sem_alloc : memref<!tpu.dma_semaphore, #tpu.memory_space<semaphore_mem>>
        %dma_start3A = tpu.memref_slice %arg3[%add3A_14] : memref<4096xi32, #tpu.memory_space<hbm>> -> memref<64xi32, #tpu.memory_space<hbm>>
        %dma_start3A_15 = tpu.memref_slice %arg3[%add3A_14] : memref<4096xi32, #tpu.memory_space<hbm>> -> memref<64xi32, #tpu.memory_space<hbm>>
        tpu.enqueue_dma source(%dma_start3A_15 : memref<64xi32, #tpu.memory_space<hbm>>) target(%arg6 : memref<64xi32, #tpu.memory_space<vmem>>) target_semaphore(%run_scoped3A : memref<!tpu.dma_semaphore, #tpu.memory_space<semaphore_mem>>)
        %dma_wait3A = tpu.memref_slice %arg3[%add3A_14] : memref<4096xi32, #tpu.memory_space<hbm>> -> memref<64xi32, #tpu.memory_space<hbm>>
        %dma_wait3A_16 = tpu.memref_slice %arg3[%add3A_14] : memref<4096xi32, #tpu.memory_space<hbm>> -> memref<64xi32, #tpu.memory_space<hbm>>
        tpu.wait_dma2 semaphore(%run_scoped3A : memref<!tpu.dma_semaphore, #tpu.memory_space<semaphore_mem>>) src(%dma_wait3A_16 : memref<64xi32, #tpu.memory_space<hbm>>) dst(%arg6 : memref<64xi32, #tpu.memory_space<vmem>>)
        tpu.yield
      }) : () -> ()
      "tpu.region"() ({
        %run_scoped3A = tpu.sem_alloc : memref<!tpu.dma_semaphore, #tpu.memory_space<semaphore_mem>>
        %dma_start3A = arith.constant 0 : i32
        %dma_start3A_15 = arith.constant 0 : i32
        %dma_start3A_16 = tpu.memref_slice %arg5[%dma_start3A, %dma_start3A_15] : memref<10240x1024xf32, #tpu.memory_space<hbm>> -> memref<10240x1024xf32, #tpu.memory_space<hbm>>
        tpu.enqueue_indirect_dma source(%arg7 : memref<64x1024xf32, #tpu.memory_space<vmem>>) target(%dma_start3A_16 : memref<10240x1024xf32, #tpu.memory_space<hbm>>) offsets(%arg6 : memref<64xi32, #tpu.memory_space<vmem>>) semaphore(%run_scoped3A : memref<!tpu.dma_semaphore, #tpu.memory_space<semaphore_mem>>)
        %dma_wait3A = arith.constant 0 : i32
        %dma_wait3A_17 = arith.constant 0 : i32
        %dma_wait3A_18 = tpu.memref_slice %arg5[%dma_wait3A, %dma_wait3A_17] : memref<10240x1024xf32, #tpu.memory_space<hbm>> -> memref<10240x1024xf32, #tpu.memory_space<hbm>>
        tpu.wait_indirect_dma semaphore(%run_scoped3A : memref<!tpu.dma_semaphore, #tpu.memory_space<semaphore_mem>>) src(%arg7 : memref<64x1024xf32, #tpu.memory_space<vmem>>) dst(%dma_wait3A_18 : memref<10240x1024xf32, #tpu.memory_space<hbm>>)
        tpu.yield
      }) : () -> ()
      "tpu.region"() ({
        %run_scoped3A = tpu.sem_alloc : memref<!tpu.dma_semaphore, #tpu.memory_space<semaphore_mem>>
        %dma_start3A = tpu.memref_slice %arg4[%add3A_14] : memref<4096xi32, #tpu.memory_space<hbm>> -> memref<64xi32, #tpu.memory_space<hbm>>
        %dma_start3A_15 = tpu.memref_slice %arg4[%add3A_14] : memref<4096xi32, #tpu.memory_space<hbm>> -> memref<64xi32, #tpu.memory_space<hbm>>
        tpu.enqueue_dma source(%dma_start3A_15 : memref<64xi32, #tpu.memory_space<hbm>>) target(%arg6 : memref<64xi32, #tpu.memory_space<vmem>>) target_semaphore(%run_scoped3A : memref<!tpu.dma_semaphore, #tpu.memory_space<semaphore_mem>>)
        %dma_wait3A = tpu.memref_slice %arg4[%add3A_14] : memref<4096xi32, #tpu.memory_space<hbm>> -> memref<64xi32, #tpu.memory_space<hbm>>
        %dma_wait3A_16 = tpu.memref_slice %arg4[%add3A_14] : memref<4096xi32, #tpu.memory_space<hbm>> -> memref<64xi32, #tpu.memory_space<hbm>>
        tpu.wait_dma2 semaphore(%run_scoped3A : memref<!tpu.dma_semaphore, #tpu.memory_space<semaphore_mem>>) src(%dma_wait3A_16 : memref<64xi32, #tpu.memory_space<hbm>>) dst(%arg6 : memref<64xi32, #tpu.memory_space<vmem>>)
        tpu.yield
      }) : () -> ()
      "tpu.region"() ({
        %run_scoped3A = tpu.sem_alloc : memref<!tpu.dma_semaphore, #tpu.memory_space<semaphore_mem>>
        %dma_start3A = arith.constant 0 : i32
        %dma_start3A_15 = arith.constant 0 : i32
        %dma_start3A_16 = tpu.memref_slice %arg5[%dma_start3A, %dma_start3A_15] : memref<10240x1024xf32, #tpu.memory_space<hbm>> -> memref<10240x1024xf32, #tpu.memory_space<hbm>>
        tpu.enqueue_indirect_dma source(%arg7 : memref<64x1024xf32, #tpu.memory_space<vmem>>) target(%dma_start3A_16 : memref<10240x1024xf32, #tpu.memory_space<hbm>>) offsets(%arg6 : memref<64xi32, #tpu.memory_space<vmem>>) semaphore(%run_scoped3A : memref<!tpu.dma_semaphore, #tpu.memory_space<semaphore_mem>>)
        %dma_wait3A = arith.constant 0 : i32
        %dma_wait3A_17 = arith.constant 0 : i32
        %dma_wait3A_18 = tpu.memref_slice %arg5[%dma_wait3A, %dma_wait3A_17] : memref<10240x1024xf32, #tpu.memory_space<hbm>> -> memref<10240x1024xf32, #tpu.memory_space<hbm>>
        tpu.wait_indirect_dma semaphore(%run_scoped3A : memref<!tpu.dma_semaphore, #tpu.memory_space<semaphore_mem>>) src(%arg7 : memref<64x1024xf32, #tpu.memory_space<vmem>>) dst(%dma_wait3A_18 : memref<10240x1024xf32, #tpu.memory_space<hbm>>)
        tpu.yield
      }) : () -> ()
    }
    %scan3A_6 = arith.constant 2 : i32
    return
  }
}

#map = affine_map<(d0, d1) -> (0, 0)>
#map1 = affine_map<(d0, d1) -> (0)>
module attributes {stable_mosaic.version = 14 : i64} {
  func.func @_sc_combine_body(%arg0: i32, %arg1: i32, %arg2: memref<10240x1024xf32, #tpu.memory_space<hbm>>, %arg3: memref<4096xi32, #tpu.memory_space<hbm>>, %arg4: memref<4096xi32, #tpu.memory_space<hbm>>, %arg5: memref<8192x1024xf32, #tpu.memory_space<hbm>>, %arg6: memref<32xi32, #tpu.memory_space<vmem>>, %arg7: memref<32x1024xf32, #tpu.memory_space<vmem>>, %arg8: memref<!tpu.dma_semaphore, #tpu.memory_space<semaphore_mem>>) attributes {dimension_semantics = [#tpu.dimension_semantics<core_parallel>, #tpu.dimension_semantics<subcore_parallel>], iteration_bounds = array<i64: 2, 16>, scalar_prefetch = 0 : i64, scratch_operands = 3 : i64, tpu.core_type = #tpu.core_type<sc_vector_subcore>, window_params = [{transform_indices = #map}, {transform_indices = #map1}, {transform_indices = #map1}, {transform_indices = #map}]} {
    %mul3A = arith.constant 2 : i32
    %mul3A_0 = arith.muli %arg1, %mul3A : i32
    %add3A = arith.addi %mul3A_0, %arg0 : i32
    %mul3A_1 = arith.constant 128 : i32
    %mul3A_2 = arith.muli %add3A, %mul3A_1 : i32
    %scan3A = arith.constant 0 : i32
    %scan3A_3 = arith.constant 4 : i32
    %scan3A_4 = arith.addi %scan3A, %scan3A_3 : i32
    %scan3A_5 = arith.constant 1 : i32
    scf.for %scan3A_7 = %scan3A to %scan3A_4 step %scan3A_5  : i32 {
      %mul3A_8 = arith.constant 1 : i32
      %mul3A_9 = arith.muli %scan3A_7, %mul3A_8 : i32
      %add3A_10 = arith.constant 0 : i32
      %add3A_11 = arith.addi %add3A_10, %mul3A_9 : i32
      %mul3A_12 = arith.constant 32 : i32
      %mul3A_13 = arith.muli %add3A_11, %mul3A_12 : i32
      %add3A_14 = arith.addi %mul3A_2, %mul3A_13 : i32
      "tpu.region"() ({
        %run_scoped3A = tpu.sem_alloc : memref<!tpu.dma_semaphore, #tpu.memory_space<semaphore_mem>>
        %dma_start3A_27 = tpu.memref_slice %arg3[%add3A_14] : memref<4096xi32, #tpu.memory_space<hbm>> -> memref<32xi32, #tpu.memory_space<hbm>>
        %dma_start3A_28 = tpu.memref_slice %arg3[%add3A_14] : memref<4096xi32, #tpu.memory_space<hbm>> -> memref<32xi32, #tpu.memory_space<hbm>>
        tpu.enqueue_dma source(%dma_start3A_28 : memref<32xi32, #tpu.memory_space<hbm>>) target(%arg6 : memref<32xi32, #tpu.memory_space<vmem>>) target_semaphore(%run_scoped3A : memref<!tpu.dma_semaphore, #tpu.memory_space<semaphore_mem>>)
        %dma_wait3A_29 = tpu.memref_slice %arg3[%add3A_14] : memref<4096xi32, #tpu.memory_space<hbm>> -> memref<32xi32, #tpu.memory_space<hbm>>
        %dma_wait3A_30 = tpu.memref_slice %arg3[%add3A_14] : memref<4096xi32, #tpu.memory_space<hbm>> -> memref<32xi32, #tpu.memory_space<hbm>>
        tpu.wait_dma2 semaphore(%run_scoped3A : memref<!tpu.dma_semaphore, #tpu.memory_space<semaphore_mem>>) src(%dma_wait3A_30 : memref<32xi32, #tpu.memory_space<hbm>>) dst(%arg6 : memref<32xi32, #tpu.memory_space<vmem>>)
        tpu.yield
      }) : () -> ()
      %dma_start3A = arith.constant 0 : i32
      %dma_start3A_15 = arith.constant 0 : i32
      %dma_start3A_16 = tpu.memref_slice %arg2[%dma_start3A, %dma_start3A_15] : memref<10240x1024xf32, #tpu.memory_space<hbm>> -> memref<10240x1024xf32, #tpu.memory_space<hbm>>
      tpu.enqueue_indirect_dma source(%dma_start3A_16 : memref<10240x1024xf32, #tpu.memory_space<hbm>>) target(%arg7 : memref<32x1024xf32, #tpu.memory_space<vmem>>) offsets(%arg6 : memref<32xi32, #tpu.memory_space<vmem>>) semaphore(%arg8 : memref<!tpu.dma_semaphore, #tpu.memory_space<semaphore_mem>>)
      %dma_wait3A = arith.constant 0 : i32
      %dma_wait3A_17 = arith.constant 0 : i32
      %dma_wait3A_18 = tpu.memref_slice %arg2[%dma_wait3A, %dma_wait3A_17] : memref<10240x1024xf32, #tpu.memory_space<hbm>> -> memref<10240x1024xf32, #tpu.memory_space<hbm>>
      tpu.wait_indirect_dma semaphore(%arg8 : memref<!tpu.dma_semaphore, #tpu.memory_space<semaphore_mem>>) src(%dma_wait3A_18 : memref<10240x1024xf32, #tpu.memory_space<hbm>>) dst(%arg7 : memref<32x1024xf32, #tpu.memory_space<vmem>>)
      "tpu.region"() ({
        %run_scoped3A = tpu.sem_alloc : memref<!tpu.dma_semaphore, #tpu.memory_space<semaphore_mem>>
        %dma_start3A_27 = arith.constant 0 : i32
        %dma_start3A_28 = tpu.memref_slice %arg5[%add3A_14, %dma_start3A_27] : memref<8192x1024xf32, #tpu.memory_space<hbm>> -> memref<32x1024xf32, #tpu.memory_space<hbm>>
        %dma_start3A_29 = arith.constant 0 : i32
        %dma_start3A_30 = tpu.memref_slice %arg5[%add3A_14, %dma_start3A_29] : memref<8192x1024xf32, #tpu.memory_space<hbm>> -> memref<32x1024xf32, #tpu.memory_space<hbm>>
        tpu.enqueue_dma source(%arg7 : memref<32x1024xf32, #tpu.memory_space<vmem>>) target(%dma_start3A_30 : memref<32x1024xf32, #tpu.memory_space<hbm>>) target_semaphore(%run_scoped3A : memref<!tpu.dma_semaphore, #tpu.memory_space<semaphore_mem>>)
        %dma_wait3A_31 = arith.constant 0 : i32
        %dma_wait3A_32 = tpu.memref_slice %arg5[%add3A_14, %dma_wait3A_31] : memref<8192x1024xf32, #tpu.memory_space<hbm>> -> memref<32x1024xf32, #tpu.memory_space<hbm>>
        %dma_wait3A_33 = arith.constant 0 : i32
        %dma_wait3A_34 = tpu.memref_slice %arg5[%add3A_14, %dma_wait3A_33] : memref<8192x1024xf32, #tpu.memory_space<hbm>> -> memref<32x1024xf32, #tpu.memory_space<hbm>>
        tpu.wait_dma2 semaphore(%run_scoped3A : memref<!tpu.dma_semaphore, #tpu.memory_space<semaphore_mem>>) src(%arg7 : memref<32x1024xf32, #tpu.memory_space<vmem>>) dst(%dma_wait3A_34 : memref<32x1024xf32, #tpu.memory_space<hbm>>)
        tpu.yield
      }) : () -> ()
      "tpu.region"() ({
        %run_scoped3A = tpu.sem_alloc : memref<!tpu.dma_semaphore, #tpu.memory_space<semaphore_mem>>
        %dma_start3A_27 = tpu.memref_slice %arg4[%add3A_14] : memref<4096xi32, #tpu.memory_space<hbm>> -> memref<32xi32, #tpu.memory_space<hbm>>
        %dma_start3A_28 = tpu.memref_slice %arg4[%add3A_14] : memref<4096xi32, #tpu.memory_space<hbm>> -> memref<32xi32, #tpu.memory_space<hbm>>
        tpu.enqueue_dma source(%dma_start3A_28 : memref<32xi32, #tpu.memory_space<hbm>>) target(%arg6 : memref<32xi32, #tpu.memory_space<vmem>>) target_semaphore(%run_scoped3A : memref<!tpu.dma_semaphore, #tpu.memory_space<semaphore_mem>>)
        %dma_wait3A_29 = tpu.memref_slice %arg4[%add3A_14] : memref<4096xi32, #tpu.memory_space<hbm>> -> memref<32xi32, #tpu.memory_space<hbm>>
        %dma_wait3A_30 = tpu.memref_slice %arg4[%add3A_14] : memref<4096xi32, #tpu.memory_space<hbm>> -> memref<32xi32, #tpu.memory_space<hbm>>
        tpu.wait_dma2 semaphore(%run_scoped3A : memref<!tpu.dma_semaphore, #tpu.memory_space<semaphore_mem>>) src(%dma_wait3A_30 : memref<32xi32, #tpu.memory_space<hbm>>) dst(%arg6 : memref<32xi32, #tpu.memory_space<vmem>>)
        tpu.yield
      }) : () -> ()
      %dma_start3A_19 = arith.constant 0 : i32
      %dma_start3A_20 = arith.constant 0 : i32
      %dma_start3A_21 = tpu.memref_slice %arg2[%dma_start3A_19, %dma_start3A_20] : memref<10240x1024xf32, #tpu.memory_space<hbm>> -> memref<10240x1024xf32, #tpu.memory_space<hbm>>
      tpu.enqueue_indirect_dma source(%dma_start3A_21 : memref<10240x1024xf32, #tpu.memory_space<hbm>>) target(%arg7 : memref<32x1024xf32, #tpu.memory_space<vmem>>) offsets(%arg6 : memref<32xi32, #tpu.memory_space<vmem>>) semaphore(%arg8 : memref<!tpu.dma_semaphore, #tpu.memory_space<semaphore_mem>>)
      %dma_wait3A_22 = arith.constant 0 : i32
      %dma_wait3A_23 = arith.constant 0 : i32
      %dma_wait3A_24 = tpu.memref_slice %arg2[%dma_wait3A_22, %dma_wait3A_23] : memref<10240x1024xf32, #tpu.memory_space<hbm>> -> memref<10240x1024xf32, #tpu.memory_space<hbm>>
      tpu.wait_indirect_dma semaphore(%arg8 : memref<!tpu.dma_semaphore, #tpu.memory_space<semaphore_mem>>) src(%dma_wait3A_24 : memref<10240x1024xf32, #tpu.memory_space<hbm>>) dst(%arg7 : memref<32x1024xf32, #tpu.memory_space<vmem>>)
      %add3A_25 = arith.constant 4096 : i32
      %add3A_26 = arith.addi %add3A_25, %add3A_14 : i32
      "tpu.region"() ({
        %run_scoped3A = tpu.sem_alloc : memref<!tpu.dma_semaphore, #tpu.memory_space<semaphore_mem>>
        %dma_start3A_27 = arith.constant 0 : i32
        %dma_start3A_28 = tpu.memref_slice %arg5[%add3A_26, %dma_start3A_27] : memref<8192x1024xf32, #tpu.memory_space<hbm>> -> memref<32x1024xf32, #tpu.memory_space<hbm>>
        %dma_start3A_29 = arith.constant 0 : i32
        %dma_start3A_30 = tpu.memref_slice %arg5[%add3A_26, %dma_start3A_29] : memref<8192x1024xf32, #tpu.memory_space<hbm>> -> memref<32x1024xf32, #tpu.memory_space<hbm>>
        tpu.enqueue_dma source(%arg7 : memref<32x1024xf32, #tpu.memory_space<vmem>>) target(%dma_start3A_30 : memref<32x1024xf32, #tpu.memory_space<hbm>>) target_semaphore(%run_scoped3A : memref<!tpu.dma_semaphore, #tpu.memory_space<semaphore_mem>>)
        %dma_wait3A_31 = arith.constant 0 : i32
        %dma_wait3A_32 = tpu.memref_slice %arg5[%add3A_26, %dma_wait3A_31] : memref<8192x1024xf32, #tpu.memory_space<hbm>> -> memref<32x1024xf32, #tpu.memory_space<hbm>>
        %dma_wait3A_33 = arith.constant 0 : i32
        %dma_wait3A_34 = tpu.memref_slice %arg5[%add3A_26, %dma_wait3A_33] : memref<8192x1024xf32, #tpu.memory_space<hbm>> -> memref<32x1024xf32, #tpu.memory_space<hbm>>
        tpu.wait_dma2 semaphore(%run_scoped3A : memref<!tpu.dma_semaphore, #tpu.memory_space<semaphore_mem>>) src(%arg7 : memref<32x1024xf32, #tpu.memory_space<vmem>>) dst(%dma_wait3A_34 : memref<32x1024xf32, #tpu.memory_space<hbm>>)
        tpu.yield
      }) : () -> ()
    }
    %scan3A_6 = arith.constant 4 : i32
    return
  }
}

module attributes {stable_mosaic.version = 14 : i64} {
  func.func @_gemm_kernel(%arg0: i32, %arg1: memref<40xi32, #tpu.memory_space<smem>>, %arg2: memref<256x1024xf32, #tpu.memory_space<vmem>>, %arg3: memref<8x1024x1024xbf16, #tpu.memory_space<vmem>>, %arg4: memref<256x1024xf32, #tpu.memory_space<vmem>>) attributes {dimension_semantics = [#tpu.dimension_semantics<arbitrary>], iteration_bounds = array<i64: 40>, scalar_prefetch = 1 : i64, scratch_operands = 0 : i64, tpu.core_type = #tpu.core_type<tc>, window_params = [{transform_indices = @transform_0, window_bounds = array<i64: 256, 1024>}, {pipeline_mode = #tpu.pipeline_mode<synchronous>, transform_indices = @transform_1, window_bounds = array<i64: 8, 1024, 1024>}, {transform_indices = @transform_2, window_bounds = array<i64: 256, 1024>}]} {
    %get3A = arith.index_cast %arg0 : i32 to index
    %get3A_0 = memref.load %arg1[%get3A] : memref<40xi32, #tpu.memory_space<smem>>
    %get3A_1 = arith.constant 0 : index
    %get3A_2 = arith.constant 0 : index
    %get3A_3 = vector.load %arg2[%get3A_1, %get3A_2] : memref<256x1024xf32, #tpu.memory_space<vmem>>, vector<256x1024xf32>
    %convert_element_type3A = arith.truncf %get3A_3 : vector<256x1024xf32> to vector<256x1024xbf16>
    %get3A_4 = arith.index_cast %get3A_0 : i32 to index
    %get3A_5 = arith.constant 0 : index
    %get3A_6 = arith.constant 0 : index
    %get3A_7 = vector.load %arg3[%get3A_4, %get3A_5, %get3A_6] : memref<8x1024x1024xbf16, #tpu.memory_space<vmem>>, vector<1x1024x1024xbf16>
    %squeeze3A = vector.shape_cast %get3A_7 : vector<1x1024x1024xbf16> to vector<1024x1024xbf16>
    %dot_general3A = arith.constant dense<0.000000e+00> : vector<256x1024xf32>
    %dot_general3A_8 = tpu.matmul %convert_element_type3A, %squeeze3A, %dot_general3A {dimension_numbers = #tpu.dot_dimension_numbers<[1], [1], [0], [0], [0, 0, 1, 0], [], []>, transpose_lhs_hint = false} : vector<256x1024xbf16>, vector<1024x1024xbf16>, vector<256x1024xf32> -> vector<256x1024xf32>
    %swap3A = arith.constant 0 : index
    %swap3A_9 = arith.constant 0 : index
    %swap3A_10 = vector.load %arg4[%swap3A, %swap3A_9] : memref<256x1024xf32, #tpu.memory_space<vmem>>, vector<256x1024xf32>
    tpu.vector_store %arg4[%swap3A, %swap3A_9], %dot_general3A_8 {strides = array<i32>} : memref<256x1024xf32, #tpu.memory_space<vmem>>, vector<256x1024xf32>,
    return
  }
  func.func @transform_0(%arg0: i32, %arg1: memref<40xi32, #tpu.memory_space<smem>>) -> (i32, i32) {
    %c0_i32 = arith.constant 0 : i32
    %c0_i32_0 = arith.constant 0 : i32
    return %arg0, %c0_i32 : i32, i32
  }
  func.func @transform_1(%arg0: i32, %arg1: memref<40xi32, #tpu.memory_space<smem>>) -> (i32, i32, i32) {
    %c0_i32 = arith.constant 0 : i32
    %c0_i32_0 = arith.constant 0 : i32
    %c0_i32_1 = arith.constant 0 : i32
    %c0_i32_2 = arith.constant 0 : i32
    return %c0_i32, %c0_i32_0, %c0_i32_1 : i32, i32, i32
  }
  func.func @transform_2(%arg0: i32, %arg1: memref<40xi32, #tpu.memory_space<smem>>) -> (i32, i32) {
    %c0_i32 = arith.constant 0 : i32
    %c0_i32_0 = arith.constant 0 : i32
    return %arg0, %c0_i32 : i32, i32
  }
}

module attributes {stable_mosaic.version = 14 : i64} {
  func.func @_route_kernel(%arg0: i32, %arg1: memref<4096x1024xf32, #tpu.memory_space<vmem>>, %arg2: memref<8x1024xf32, #tpu.memory_space<vmem>>, %arg3: memref<4096x1xi32, #tpu.memory_space<vmem>>, %arg4: memref<4096x1xi32, #tpu.memory_space<vmem>>, %arg5: memref<40x1xi32, #tpu.memory_space<vmem>>, %arg6: memref<4096x1xf32, #tpu.memory_space<vmem>>, %arg7: memref<4096x1xf32, #tpu.memory_space<vmem>>) attributes {dimension_semantics = [#tpu.dimension_semantics<arbitrary>], iteration_bounds = array<i64: 1>, scalar_prefetch = 0 : i64, scratch_operands = 0 : i64, tpu.core_type = #tpu.core_type<tc>, window_params = [{pipeline_mode = #tpu.pipeline_mode<synchronous>, transform_indices = @transform_0, window_bounds = array<i64: 4096, 1024>}, {pipeline_mode = #tpu.pipeline_mode<synchronous>, transform_indices = @transform_1, window_bounds = array<i64: 8, 1024>}, {pipeline_mode = #tpu.pipeline_mode<synchronous>, transform_indices = @transform_2, window_bounds = array<i64: 4096, 1>}, {pipeline_mode = #tpu.pipeline_mode<synchronous>, transform_indices = @transform_3, window_bounds = array<i64: 4096, 1>}, {pipeline_mode = #tpu.pipeline_mode<synchronous>, transform_indices = @transform_4, window_bounds = array<i64: 40, 1>}, {pipeline_mode = #tpu.pipeline_mode<synchronous>, transform_indices = @transform_5, window_bounds = array<i64: 4096, 1>}, {pipeline_mode = #tpu.pipeline_mode<synchronous>, transform_indices = @transform_6, window_bounds = array<i64: 4096, 1>}]} {
    %get3A = arith.constant 0 : index
    %get3A_0 = arith.constant 0 : index
    %get3A_1 = vector.load %arg1[%get3A, %get3A_0] : memref<4096x1024xf32, #tpu.memory_space<vmem>>, vector<4096x1024xf32>
    %get3A_2 = arith.constant 0 : index
    %get3A_3 = arith.constant 0 : index
    %get3A_4 = vector.load %arg2[%get3A_2, %get3A_3] : memref<8x1024xf32, #tpu.memory_space<vmem>>, vector<8x1024xf32>
    %dot_general3A = arith.constant dense<0.000000e+00> : vector<4096x8xf32>
    %dot_general3A_5 = tpu.matmul %get3A_1, %get3A_4, %dot_general3A {dimension_numbers = #tpu.dot_dimension_numbers<[1], [1], [0], [0], [0, 0, 1, 0], [], []>, transpose_lhs_hint = false} : vector<4096x1024xf32>, vector<8x1024xf32>, vector<4096x8xf32> -> vector<4096x8xf32>
    %iota3A = tpu.iota {dimensions = array<i32: 1>} : vector<4096x8xi32>
    %reduce_max3A = arith.constant dense<0xFF800000> : vector<4096xf32>
    %reduce_max3A_6 = vector.multi_reduction <maximumf>, %dot_general3A_5, %reduce_max3A [1] : vector<4096x8xf32> to vector<4096xf32>
    %broadcast_in_dim3A = vector.shape_cast %reduce_max3A_6 : vector<4096xf32> to vector<4096x1xf32>
    %eq3A = vector.broadcast %broadcast_in_dim3A : vector<4096x1xf32> to vector<4096x8xf32>
    %eq3A_7 = arith.cmpf oeq, %dot_general3A_5, %eq3A : vector<4096x8xf32>
    %jit3A = arith.constant 8 : i32
    %broadcast_in_dim3A_8 = vector.broadcast %jit3A : i32 to vector<4096x8xi32>
    %select_n3A = arith.select %eq3A_7, %iota3A, %broadcast_in_dim3A_8 : vector<4096x8xi1>, vector<4096x8xi32>
    %reduce_min3A = arith.constant dense<2147483647> : vector<4096xi32>
    %reduce_min3A_9 = vector.multi_reduction <minsi>, %select_n3A, %reduce_min3A [1] : vector<4096x8xi32> to vector<4096xi32>
    %broadcast_in_dim3A_10 = vector.shape_cast %reduce_min3A_9 : vector<4096xi32> to vector<4096x1xi32>
    %eq3A_11 = vector.broadcast %broadcast_in_dim3A_10 : vector<4096x1xi32> to vector<4096x8xi32>
    %eq3A_12 = arith.cmpi eq, %iota3A, %eq3A_11 : vector<4096x8xi32>
    %jit3A_13 = arith.constant 0xFF800000 : f32
    %broadcast_in_dim3A_14 = vector.broadcast %jit3A_13 : f32 to vector<4096x8xf32>
    %select_n3A_15 = arith.select %eq3A_12, %broadcast_in_dim3A_14, %dot_general3A_5 : vector<4096x8xi1>, vector<4096x8xf32>
    %reduce_max3A_16 = arith.constant dense<0xFF800000> : vector<4096xf32>
    %reduce_max3A_17 = vector.multi_reduction <maximumf>, %select_n3A_15, %reduce_max3A_16 [1] : vector<4096x8xf32> to vector<4096xf32>
    %broadcast_in_dim3A_18 = vector.shape_cast %reduce_max3A_17 : vector<4096xf32> to vector<4096x1xf32>
    %eq3A_19 = vector.broadcast %broadcast_in_dim3A_18 : vector<4096x1xf32> to vector<4096x8xf32>
    %eq3A_20 = arith.cmpf oeq, %select_n3A_15, %eq3A_19 : vector<4096x8xf32>
    %jit3A_21 = arith.constant 8 : i32
    %broadcast_in_dim3A_22 = vector.broadcast %jit3A_21 : i32 to vector<4096x8xi32>
    %select_n3A_23 = arith.select %eq3A_20, %iota3A, %broadcast_in_dim3A_22 : vector<4096x8xi1>, vector<4096x8xi32>
    %reduce_min3A_24 = arith.constant dense<2147483647> : vector<4096xi32>
    %reduce_min3A_25 = vector.multi_reduction <minsi>, %select_n3A_23, %reduce_min3A_24 [1] : vector<4096x8xi32> to vector<4096xi32>
    %broadcast_in_dim3A_26 = vector.shape_cast %reduce_min3A_25 : vector<4096xi32> to vector<4096x1xi32>
    %sub3A = arith.subf %broadcast_in_dim3A_18, %broadcast_in_dim3A : vector<4096x1xf32>
    %exp3A = math.exp %sub3A : vector<4096x1xf32>
    %add3A = arith.constant 1.000000e+00 : f32
    %add3A_27 = vector.broadcast %add3A : f32 to vector<4096x1xf32>
    %add3A_28 = arith.addf %add3A_27, %exp3A : vector<4096x1xf32>
    %div3A = arith.constant 1.000000e+00 : f32
    %div3A_29 = vector.broadcast %div3A : f32 to vector<4096x1xf32>
    %div3A_30 = arith.divf %div3A_29, %add3A_28 : vector<4096x1xf32>
    %swap3A = arith.constant 0 : index
    %swap3A_31 = arith.constant 0 : index
    %swap3A_32 = vector.load %arg6[%swap3A, %swap3A_31] : memref<4096x1xf32, #tpu.memory_space<vmem>>, vector<4096x1xf32>
    tpu.vector_store %arg6[%swap3A, %swap3A_31], %div3A_30 {strides = array<i32>} : memref<4096x1xf32, #tpu.memory_space<vmem>>, vector<4096x1xf32>,
    %add3A_33 = arith.constant 1.000000e+00 : f32
    %add3A_34 = vector.broadcast %add3A_33 : f32 to vector<4096x1xf32>
    %add3A_35 = arith.addf %add3A_34, %exp3A : vector<4096x1xf32>
    %div3A_36 = arith.divf %exp3A, %add3A_35 : vector<4096x1xf32>
    %swap3A_37 = arith.constant 0 : index
    %swap3A_38 = arith.constant 0 : index
    %swap3A_39 = vector.load %arg7[%swap3A_37, %swap3A_38] : memref<4096x1xf32, #tpu.memory_space<vmem>>, vector<4096x1xf32>
    tpu.vector_store %arg7[%swap3A_37, %swap3A_38], %div3A_36 {strides = array<i32>} : memref<4096x1xf32, #tpu.memory_space<vmem>>, vector<4096x1xf32>,
    %eq3A_40 = vector.broadcast %broadcast_in_dim3A_10 : vector<4096x1xi32> to vector<4096x8xi32>
    %eq3A_41 = arith.cmpi eq, %iota3A, %eq3A_40 : vector<4096x8xi32>
    %convert_element_type3A = arith.extui %eq3A_41 : vector<4096x8xi1> to vector<4096x8xi32>
    %eq3A_42 = vector.broadcast %broadcast_in_dim3A_26 : vector<4096x1xi32> to vector<4096x8xi32>
    %eq3A_43 = arith.cmpi eq, %iota3A, %eq3A_42 : vector<4096x8xi32>
    %convert_element_type3A_44 = arith.extui %eq3A_43 : vector<4096x8xi1> to vector<4096x8xi32>
    %broadcast_in_dim3A_45 = arith.constant 0 : i32
    %broadcast_in_dim3A_46 = vector.broadcast %broadcast_in_dim3A_45 : i32 to vector<1x8xi32>
    %slice3A = vector.extract_strided_slice %convert_element_type3A {offsets = [0, 0], sizes = [4095, 8], strides = [1, 1]} : vector<4096x8xi32> to vector<4095x8xi32>
    %concatenate3A = tpu.concatenate %broadcast_in_dim3A_46, %slice3A in 0 : vector<1x8xi32>, vector<4095x8xi32> -> vector<4096x8xi32>
    %add3A_47 = arith.addi %convert_element_type3A, %concatenate3A : vector<4096x8xi32>
    %broadcast_in_dim3A_48 = arith.constant 0 : i32
    %broadcast_in_dim3A_49 = vector.broadcast %broadcast_in_dim3A_48 : i32 to vector<2x8xi32>
    %slice3A_50 = vector.extract_strided_slice %add3A_47 {offsets = [0, 0], sizes = [4094, 8], strides = [1, 1]} : vector<4096x8xi32> to vector<4094x8xi32>
    %concatenate3A_51 = tpu.concatenate %broadcast_in_dim3A_49, %slice3A_50 in 0 : vector<2x8xi32>, vector<4094x8xi32> -> vector<4096x8xi32>
    %add3A_52 = arith.addi %add3A_47, %concatenate3A_51 : vector<4096x8xi32>
    %broadcast_in_dim3A_53 = arith.constant 0 : i32
    %broadcast_in_dim3A_54 = vector.broadcast %broadcast_in_dim3A_53 : i32 to vector<4x8xi32>
    %slice3A_55 = vector.extract_strided_slice %add3A_52 {offsets = [0, 0], sizes = [4092, 8], strides = [1, 1]} : vector<4096x8xi32> to vector<4092x8xi32>
    %concatenate3A_56 = tpu.concatenate %broadcast_in_dim3A_54, %slice3A_55 in 0 : vector<4x8xi32>, vector<4092x8xi32> -> vector<4096x8xi32>
    %add3A_57 = arith.addi %add3A_52, %concatenate3A_56 : vector<4096x8xi32>
    %broadcast_in_dim3A_58 = arith.constant 0 : i32
    %broadcast_in_dim3A_59 = vector.broadcast %broadcast_in_dim3A_58 : i32 to vector<8x8xi32>
    %slice3A_60 = vector.extract_strided_slice %add3A_57 {offsets = [0, 0], sizes = [4088, 8], strides = [1, 1]} : vector<4096x8xi32> to vector<4088x8xi32>
    %concatenate3A_61 = tpu.concatenate %broadcast_in_dim3A_59, %slice3A_60 in 0 : vector<8x8xi32>, vector<4088x8xi32> -> vector<4096x8xi32>
    %add3A_62 = arith.addi %add3A_57, %concatenate3A_61 : vector<4096x8xi32>
    %broadcast_in_dim3A_63 = arith.constant 0 : i32
    %broadcast_in_dim3A_64 = vector.broadcast %broadcast_in_dim3A_63 : i32 to vector<16x8xi32>
    %slice3A_65 = vector.extract_strided_slice %add3A_62 {offsets = [0, 0], sizes = [4080, 8], strides = [1, 1]} : vector<4096x8xi32> to vector<4080x8xi32>
    %concatenate3A_66 = tpu.concatenate %broadcast_in_dim3A_64, %slice3A_65 in 0 : vector<16x8xi32>, vector<4080x8xi32> -> vector<4096x8xi32>
    %add3A_67 = arith.addi %add3A_62, %concatenate3A_66 : vector<4096x8xi32>
    %broadcast_in_dim3A_68 = arith.constant 0 : i32
    %broadcast_in_dim3A_69 = vector.broadcast %broadcast_in_dim3A_68 : i32 to vector<32x8xi32>
    %slice3A_70 = vector.extract_strided_slice %add3A_67 {offsets = [0, 0], sizes = [4064, 8], strides = [1, 1]} : vector<4096x8xi32> to vector<4064x8xi32>
    %concatenate3A_71 = tpu.concatenate %broadcast_in_dim3A_69, %slice3A_70 in 0 : vector<32x8xi32>, vector<4064x8xi32> -> vector<4096x8xi32>
    %add3A_72 = arith.addi %add3A_67, %concatenate3A_71 : vector<4096x8xi32>
    %broadcast_in_dim3A_73 = arith.constant 0 : i32
    %broadcast_in_dim3A_74 = vector.broadcast %broadcast_in_dim3A_73 : i32 to vector<64x8xi32>
    %slice3A_75 = vector.extract_strided_slice %add3A_72 {offsets = [0, 0], sizes = [4032, 8], strides = [1, 1]} : vector<4096x8xi32> to vector<4032x8xi32>
    %concatenate3A_76 = tpu.concatenate %broadcast_in_dim3A_74, %slice3A_75 in 0 : vector<64x8xi32>, vector<4032x8xi32> -> vector<4096x8xi32>
    %add3A_77 = arith.addi %add3A_72, %concatenate3A_76 : vector<4096x8xi32>
    %broadcast_in_dim3A_78 = arith.constant 0 : i32
    %broadcast_in_dim3A_79 = vector.broadcast %broadcast_in_dim3A_78 : i32 to vector<128x8xi32>
    %slice3A_80 = vector.extract_strided_slice %add3A_77 {offsets = [0, 0], sizes = [3968, 8], strides = [1, 1]} : vector<4096x8xi32> to vector<3968x8xi32>
    %concatenate3A_81 = tpu.concatenate %broadcast_in_dim3A_79, %slice3A_80 in 0 : vector<128x8xi32>, vector<3968x8xi32> -> vector<4096x8xi32>
    %add3A_82 = arith.addi %add3A_77, %concatenate3A_81 : vector<4096x8xi32>
    %broadcast_in_dim3A_83 = arith.constant 0 : i32
    %broadcast_in_dim3A_84 = vector.broadcast %broadcast_in_dim3A_83 : i32 to vector<256x8xi32>
    %slice3A_85 = vector.extract_strided_slice %add3A_82 {offsets = [0, 0], sizes = [3840, 8], strides = [1, 1]} : vector<4096x8xi32> to vector<3840x8xi32>
    %concatenate3A_86 = tpu.concatenate %broadcast_in_dim3A_84, %slice3A_85 in 0 : vector<256x8xi32>, vector<3840x8xi32> -> vector<4096x8xi32>
    %add3A_87 = arith.addi %add3A_82, %concatenate3A_86 : vector<4096x8xi32>
    %broadcast_in_dim3A_88 = arith.constant 0 : i32
    %broadcast_in_dim3A_89 = vector.broadcast %broadcast_in_dim3A_88 : i32 to vector<512x8xi32>
    %slice3A_90 = vector.extract_strided_slice %add3A_87 {offsets = [0, 0], sizes = [3584, 8], strides = [1, 1]} : vector<4096x8xi32> to vector<3584x8xi32>
    %concatenate3A_91 = tpu.concatenate %broadcast_in_dim3A_89, %slice3A_90 in 0 : vector<512x8xi32>, vector<3584x8xi32> -> vector<4096x8xi32>
    %add3A_92 = arith.addi %add3A_87, %concatenate3A_91 : vector<4096x8xi32>
    %broadcast_in_dim3A_93 = arith.constant 0 : i32
    %broadcast_in_dim3A_94 = vector.broadcast %broadcast_in_dim3A_93 : i32 to vector<1024x8xi32>
    %slice3A_95 = vector.extract_strided_slice %add3A_92 {offsets = [0, 0], sizes = [3072, 8], strides = [1, 1]} : vector<4096x8xi32> to vector<3072x8xi32>
    %concatenate3A_96 = tpu.concatenate %broadcast_in_dim3A_94, %slice3A_95 in 0 : vector<1024x8xi32>, vector<3072x8xi32> -> vector<4096x8xi32>
    %add3A_97 = arith.addi %add3A_92, %concatenate3A_96 : vector<4096x8xi32>
    %broadcast_in_dim3A_98 = arith.constant 0 : i32
    %broadcast_in_dim3A_99 = vector.broadcast %broadcast_in_dim3A_98 : i32 to vector<2048x8xi32>
    %slice3A_100 = vector.extract_strided_slice %add3A_97 {offsets = [0, 0], sizes = [2048, 8], strides = [1, 1]} : vector<4096x8xi32> to vector<2048x8xi32>
    %concatenate3A_101 = tpu.concatenate %broadcast_in_dim3A_99, %slice3A_100 in 0 : vector<2048x8xi32>, vector<2048x8xi32> -> vector<4096x8xi32>
    %add3A_102 = arith.addi %add3A_97, %concatenate3A_101 : vector<4096x8xi32>
    %broadcast_in_dim3A_103 = arith.constant 0 : i32
    %broadcast_in_dim3A_104 = vector.broadcast %broadcast_in_dim3A_103 : i32 to vector<1x8xi32>
    %slice3A_105 = vector.extract_strided_slice %convert_element_type3A_44 {offsets = [0, 0], sizes = [4095, 8], strides = [1, 1]} : vector<4096x8xi32> to vector<4095x8xi32>
    %concatenate3A_106 = tpu.concatenate %broadcast_in_dim3A_104, %slice3A_105 in 0 : vector<1x8xi32>, vector<4095x8xi32> -> vector<4096x8xi32>
    %add3A_107 = arith.addi %convert_element_type3A_44, %concatenate3A_106 : vector<4096x8xi32>
    %broadcast_in_dim3A_108 = arith.constant 0 : i32
    %broadcast_in_dim3A_109 = vector.broadcast %broadcast_in_dim3A_108 : i32 to vector<2x8xi32>
    %slice3A_110 = vector.extract_strided_slice %add3A_107 {offsets = [0, 0], sizes = [4094, 8], strides = [1, 1]} : vector<4096x8xi32> to vector<4094x8xi32>
    %concatenate3A_111 = tpu.concatenate %broadcast_in_dim3A_109, %slice3A_110 in 0 : vector<2x8xi32>, vector<4094x8xi32> -> vector<4096x8xi32>
    %add3A_112 = arith.addi %add3A_107, %concatenate3A_111 : vector<4096x8xi32>
    %broadcast_in_dim3A_113 = arith.constant 0 : i32
    %broadcast_in_dim3A_114 = vector.broadcast %broadcast_in_dim3A_113 : i32 to vector<4x8xi32>
    %slice3A_115 = vector.extract_strided_slice %add3A_112 {offsets = [0, 0], sizes = [4092, 8], strides = [1, 1]} : vector<4096x8xi32> to vector<4092x8xi32>
    %concatenate3A_116 = tpu.concatenate %broadcast_in_dim3A_114, %slice3A_115 in 0 : vector<4x8xi32>, vector<4092x8xi32> -> vector<4096x8xi32>
    %add3A_117 = arith.addi %add3A_112, %concatenate3A_116 : vector<4096x8xi32>
    %broadcast_in_dim3A_118 = arith.constant 0 : i32
    %broadcast_in_dim3A_119 = vector.broadcast %broadcast_in_dim3A_118 : i32 to vector<8x8xi32>
    %slice3A_120 = vector.extract_strided_slice %add3A_117 {offsets = [0, 0], sizes = [4088, 8], strides = [1, 1]} : vector<4096x8xi32> to vector<4088x8xi32>
    %concatenate3A_121 = tpu.concatenate %broadcast_in_dim3A_119, %slice3A_120 in 0 : vector<8x8xi32>, vector<4088x8xi32> -> vector<4096x8xi32>
    %add3A_122 = arith.addi %add3A_117, %concatenate3A_121 : vector<4096x8xi32>
    %broadcast_in_dim3A_123 = arith.constant 0 : i32
    %broadcast_in_dim3A_124 = vector.broadcast %broadcast_in_dim3A_123 : i32 to vector<16x8xi32>
    %slice3A_125 = vector.extract_strided_slice %add3A_122 {offsets = [0, 0], sizes = [4080, 8], strides = [1, 1]} : vector<4096x8xi32> to vector<4080x8xi32>
    %concatenate3A_126 = tpu.concatenate %broadcast_in_dim3A_124, %slice3A_125 in 0 : vector<16x8xi32>, vector<4080x8xi32> -> vector<4096x8xi32>
    %add3A_127 = arith.addi %add3A_122, %concatenate3A_126 : vector<4096x8xi32>
    %broadcast_in_dim3A_128 = arith.constant 0 : i32
    %broadcast_in_dim3A_129 = vector.broadcast %broadcast_in_dim3A_128 : i32 to vector<32x8xi32>
    %slice3A_130 = vector.extract_strided_slice %add3A_127 {offsets = [0, 0], sizes = [4064, 8], strides = [1, 1]} : vector<4096x8xi32> to vector<4064x8xi32>
    %concatenate3A_131 = tpu.concatenate %broadcast_in_dim3A_129, %slice3A_130 in 0 : vector<32x8xi32>, vector<4064x8xi32> -> vector<4096x8xi32>
    %add3A_132 = arith.addi %add3A_127, %concatenate3A_131 : vector<4096x8xi32>
    %broadcast_in_dim3A_133 = arith.constant 0 : i32
    %broadcast_in_dim3A_134 = vector.broadcast %broadcast_in_dim3A_133 : i32 to vector<64x8xi32>
    %slice3A_135 = vector.extract_strided_slice %add3A_132 {offsets = [0, 0], sizes = [4032, 8], strides = [1, 1]} : vector<4096x8xi32> to vector<4032x8xi32>
    %concatenate3A_136 = tpu.concatenate %broadcast_in_dim3A_134, %slice3A_135 in 0 : vector<64x8xi32>, vector<4032x8xi32> -> vector<4096x8xi32>
    %add3A_137 = arith.addi %add3A_132, %concatenate3A_136 : vector<4096x8xi32>
    %broadcast_in_dim3A_138 = arith.constant 0 : i32
    %broadcast_in_dim3A_139 = vector.broadcast %broadcast_in_dim3A_138 : i32 to vector<128x8xi32>
    %slice3A_140 = vector.extract_strided_slice %add3A_137 {offsets = [0, 0], sizes = [3968, 8], strides = [1, 1]} : vector<4096x8xi32> to vector<3968x8xi32>
    %concatenate3A_141 = tpu.concatenate %broadcast_in_dim3A_139, %slice3A_140 in 0 : vector<128x8xi32>, vector<3968x8xi32> -> vector<4096x8xi32>
    %add3A_142 = arith.addi %add3A_137, %concatenate3A_141 : vector<4096x8xi32>
    %broadcast_in_dim3A_143 = arith.constant 0 : i32
    %broadcast_in_dim3A_144 = vector.broadcast %broadcast_in_dim3A_143 : i32 to vector<256x8xi32>
    %slice3A_145 = vector.extract_strided_slice %add3A_142 {offsets = [0, 0], sizes = [3840, 8], strides = [1, 1]} : vector<4096x8xi32> to vector<3840x8xi32>
    %concatenate3A_146 = tpu.concatenate %broadcast_in_dim3A_144, %slice3A_145 in 0 : vector<256x8xi32>, vector<3840x8xi32> -> vector<4096x8xi32>
    %add3A_147 = arith.addi %add3A_142, %concatenate3A_146 : vector<4096x8xi32>
    %broadcast_in_dim3A_148 = arith.constant 0 : i32
    %broadcast_in_dim3A_149 = vector.broadcast %broadcast_in_dim3A_148 : i32 to vector<512x8xi32>
    %slice3A_150 = vector.extract_strided_slice %add3A_147 {offsets = [0, 0], sizes = [3584, 8], strides = [1, 1]} : vector<4096x8xi32> to vector<3584x8xi32>
    %concatenate3A_151 = tpu.concatenate %broadcast_in_dim3A_149, %slice3A_150 in 0 : vector<512x8xi32>, vector<3584x8xi32> -> vector<4096x8xi32>
    %add3A_152 = arith.addi %add3A_147, %concatenate3A_151 : vector<4096x8xi32>
    %broadcast_in_dim3A_153 = arith.constant 0 : i32
    %broadcast_in_dim3A_154 = vector.broadcast %broadcast_in_dim3A_153 : i32 to vector<1024x8xi32>
    %slice3A_155 = vector.extract_strided_slice %add3A_152 {offsets = [0, 0], sizes = [3072, 8], strides = [1, 1]} : vector<4096x8xi32> to vector<3072x8xi32>
    %concatenate3A_156 = tpu.concatenate %broadcast_in_dim3A_154, %slice3A_155 in 0 : vector<1024x8xi32>, vector<3072x8xi32> -> vector<4096x8xi32>
    %add3A_157 = arith.addi %add3A_152, %concatenate3A_156 : vector<4096x8xi32>
    %broadcast_in_dim3A_158 = arith.constant 0 : i32
    %broadcast_in_dim3A_159 = vector.broadcast %broadcast_in_dim3A_158 : i32 to vector<2048x8xi32>
    %slice3A_160 = vector.extract_strided_slice %add3A_157 {offsets = [0, 0], sizes = [2048, 8], strides = [1, 1]} : vector<4096x8xi32> to vector<2048x8xi32>
    %concatenate3A_161 = tpu.concatenate %broadcast_in_dim3A_159, %slice3A_160 in 0 : vector<2048x8xi32>, vector<2048x8xi32> -> vector<4096x8xi32>
    %add3A_162 = arith.addi %add3A_157, %concatenate3A_161 : vector<4096x8xi32>
    %slice3A_163 = vector.extract_strided_slice %add3A_102 {offsets = [4095, 0], sizes = [1, 8], strides = [1, 1]} : vector<4096x8xi32> to vector<1x8xi32>
    %slice3A_164 = vector.extract_strided_slice %add3A_162 {offsets = [4095, 0], sizes = [1, 8], strides = [1, 1]} : vector<4096x8xi32> to vector<1x8xi32>
    %add3A_165 = arith.addi %slice3A_163, %slice3A_164 : vector<1x8xi32>
    %add3A_166 = arith.constant 255 : i32
    %add3A_167 = vector.broadcast %add3A_166 : i32 to vector<1x8xi32>
    %add3A_168 = arith.addi %add3A_165, %add3A_167 : vector<1x8xi32>
    %jit3A_169 = arith.constant 256 : i32
    %div3A_170 = vector.broadcast %jit3A_169 : i32 to vector<1x8xi32>
    %div3A_171 = arith.divsi %add3A_168, %div3A_170 : vector<1x8xi32>
    %sign3A = arith.constant 0 : i32
    %sign3A_172 = vector.broadcast %sign3A : i32 to vector<1x8xi32>
    %sign3A_173 = arith.cmpi sgt, %add3A_168, %sign3A_172 : vector<1x8xi32>
    %sign3A_174 = arith.extui %sign3A_173 : vector<1x8xi1> to vector<1x8xi32>
    %sign3A_175 = arith.constant 0 : i32
    %sign3A_176 = vector.broadcast %sign3A_175 : i32 to vector<1x8xi32>
    %sign3A_177 = arith.cmpi slt, %add3A_168, %sign3A_176 : vector<1x8xi32>
    %sign3A_178 = arith.extui %sign3A_177 : vector<1x8xi1> to vector<1x8xi32>
    %sign3A_179 = arith.subi %sign3A_174, %sign3A_178 : vector<1x8xi32>
    %sign3A_180 = arith.constant 0 : i32
    %sign3A_181 = arith.cmpi sgt, %jit3A_169, %sign3A_180 : i32
    %sign3A_182 = arith.extui %sign3A_181 : i1 to i32
    %sign3A_183 = arith.constant 0 : i32
    %sign3A_184 = arith.cmpi slt, %jit3A_169, %sign3A_183 : i32
    %sign3A_185 = arith.extui %sign3A_184 : i1 to i32
    %sign3A_186 = arith.subi %sign3A_182, %sign3A_185 : i32
    %ne3A = vector.broadcast %sign3A_186 : i32 to vector<1x8xi32>
    %ne3A_187 = arith.cmpi ne, %sign3A_179, %ne3A : vector<1x8xi32>
    %rem3A = vector.broadcast %jit3A_169 : i32 to vector<1x8xi32>
    %rem3A_188 = arith.remsi %add3A_168, %rem3A : vector<1x8xi32>
    %ne3A_189 = arith.constant 0 : i32
    %ne3A_190 = vector.broadcast %ne3A_189 : i32 to vector<1x8xi32>
    %ne3A_191 = arith.cmpi ne, %rem3A_188, %ne3A_190 : vector<1x8xi32>
    %and3A = arith.andi %ne3A_187, %ne3A_191 : vector<1x8xi1>
    %sub3A_192 = arith.constant 1 : i32
    %sub3A_193 = vector.broadcast %sub3A_192 : i32 to vector<1x8xi32>
    %sub3A_194 = arith.subi %div3A_171, %sub3A_193 : vector<1x8xi32>
    %select_n3A_195 = arith.select %and3A, %sub3A_194, %div3A_171 : vector<1x8xi1>, vector<1x8xi32>
    %mul3A = arith.constant 256 : i32
    %mul3A_196 = vector.broadcast %mul3A : i32 to vector<1x8xi32>
    %mul3A_197 = arith.muli %select_n3A_195, %mul3A_196 : vector<1x8xi32>
    %broadcast_in_dim3A_198 = arith.constant 0 : i32
    %broadcast_in_dim3A_199 = vector.broadcast %broadcast_in_dim3A_198 : i32 to vector<1x1xi32>
    %slice3A_200 = vector.extract_strided_slice %mul3A_197 {offsets = [0, 0], sizes = [1, 7], strides = [1, 1]} : vector<1x8xi32> to vector<1x7xi32>
    %concatenate3A_201 = tpu.concatenate %broadcast_in_dim3A_199, %slice3A_200 in 1 : vector<1x1xi32>, vector<1x7xi32> -> vector<1x8xi32>
    %add3A_202 = arith.addi %mul3A_197, %concatenate3A_201 : vector<1x8xi32>
    %broadcast_in_dim3A_203 = arith.constant 0 : i32
    %broadcast_in_dim3A_204 = vector.broadcast %broadcast_in_dim3A_203 : i32 to vector<1x2xi32>
    %slice3A_205 = vector.extract_strided_slice %add3A_202 {offsets = [0, 0], sizes = [1, 6], strides = [1, 1]} : vector<1x8xi32> to vector<1x6xi32>
    %concatenate3A_206 = tpu.concatenate %broadcast_in_dim3A_204, %slice3A_205 in 1 : vector<1x2xi32>, vector<1x6xi32> -> vector<1x8xi32>
    %add3A_207 = arith.addi %add3A_202, %concatenate3A_206 : vector<1x8xi32>
    %broadcast_in_dim3A_208 = arith.constant 0 : i32
    %broadcast_in_dim3A_209 = vector.broadcast %broadcast_in_dim3A_208 : i32 to vector<1x4xi32>
    %slice3A_210 = vector.extract_strided_slice %add3A_207 {offsets = [0, 0], sizes = [1, 4], strides = [1, 1]} : vector<1x8xi32> to vector<1x4xi32>
    %concatenate3A_211 = tpu.concatenate %broadcast_in_dim3A_209, %slice3A_210 in 1 : vector<1x4xi32>, vector<1x4xi32> -> vector<1x8xi32>
    %add3A_212 = arith.addi %add3A_207, %concatenate3A_211 : vector<1x8xi32>
    %sub3A_213 = arith.subi %add3A_212, %mul3A_197 : vector<1x8xi32>
    %add3A_214 = vector.broadcast %sub3A_213 : vector<1x8xi32> to vector<4096x8xi32>
    %add3A_215 = arith.addi %add3A_214, %add3A_102 : vector<4096x8xi32>
    %sub3A_216 = arith.constant 1 : i32
    %sub3A_217 = vector.broadcast %sub3A_216 : i32 to vector<4096x8xi32>
    %sub3A_218 = arith.subi %add3A_215, %sub3A_217 : vector<4096x8xi32>
    %mul3A_219 = arith.muli %convert_element_type3A, %sub3A_218 : vector<4096x8xi32>
    %reduce_sum3A = arith.constant dense<0> : vector<4096xi32>
    %reduce_sum3A_220 = vector.multi_reduction <add>, %mul3A_219, %reduce_sum3A [1] : vector<4096x8xi32> to vector<4096xi32>
    %broadcast_in_dim3A_221 = vector.shape_cast %reduce_sum3A_220 : vector<4096xi32> to vector<4096x1xi32>
    %swap3A_222 = arith.constant 0 : index
    %swap3A_223 = arith.constant 0 : index
    %swap3A_224 = vector.load %arg3[%swap3A_222, %swap3A_223] : memref<4096x1xi32, #tpu.memory_space<vmem>>, vector<4096x1xi32>
    tpu.vector_store %arg3[%swap3A_222, %swap3A_223], %broadcast_in_dim3A_221 {strides = array<i32>} : memref<4096x1xi32, #tpu.memory_space<vmem>>, vector<4096x1xi32>,
    %add3A_225 = arith.addi %sub3A_213, %slice3A_163 : vector<1x8xi32>
    %add3A_226 = vector.broadcast %add3A_225 : vector<1x8xi32> to vector<4096x8xi32>
    %add3A_227 = arith.addi %add3A_226, %add3A_162 : vector<4096x8xi32>
    %sub3A_228 = arith.constant 1 : i32
    %sub3A_229 = vector.broadcast %sub3A_228 : i32 to vector<4096x8xi32>
    %sub3A_230 = arith.subi %add3A_227, %sub3A_229 : vector<4096x8xi32>
    %mul3A_231 = arith.muli %convert_element_type3A_44, %sub3A_230 : vector<4096x8xi32>
    %reduce_sum3A_232 = arith.constant dense<0> : vector<4096xi32>
    %reduce_sum3A_233 = vector.multi_reduction <add>, %mul3A_231, %reduce_sum3A_232 [1] : vector<4096x8xi32> to vector<4096xi32>
    %broadcast_in_dim3A_234 = vector.shape_cast %reduce_sum3A_233 : vector<4096xi32> to vector<4096x1xi32>
    %swap3A_235 = arith.constant 0 : index
    %swap3A_236 = arith.constant 0 : index
    %swap3A_237 = vector.load %arg4[%swap3A_235, %swap3A_236] : memref<4096x1xi32, #tpu.memory_space<vmem>>, vector<4096x1xi32>
    tpu.vector_store %arg4[%swap3A_235, %swap3A_236], %broadcast_in_dim3A_234 {strides = array<i32>} : memref<4096x1xi32, #tpu.memory_space<vmem>>, vector<4096x1xi32>,
    %iota3A_238 = tpu.iota {dimensions = array<i32: 0>} : vector<40x8xi32>
    %mul3A_239 = arith.constant 256 : i32
    %mul3A_240 = vector.broadcast %mul3A_239 : i32 to vector<40x8xi32>
    %mul3A_241 = arith.muli %iota3A_238, %mul3A_240 : vector<40x8xi32>
    %broadcast_in_dim3A_242 = vector.shape_cast %sub3A_213 : vector<1x8xi32> to vector<1x8xi32>
    %broadcast_in_dim3A_243 = vector.broadcast %broadcast_in_dim3A_242 : vector<1x8xi32> to vector<40x8xi32>
    %le3A = arith.cmpi sle, %broadcast_in_dim3A_243, %mul3A_241 : vector<40x8xi32>
    %convert_element_type3A_244 = arith.extui %le3A : vector<40x8xi1> to vector<40x8xi32>
    %reduce_sum3A_245 = arith.constant dense<0> : vector<40xi32>
    %reduce_sum3A_246 = vector.multi_reduction <add>, %convert_element_type3A_244, %reduce_sum3A_245 [1] : vector<40x8xi32> to vector<40xi32>
    %broadcast_in_dim3A_247 = vector.shape_cast %reduce_sum3A_246 : vector<40xi32> to vector<40x1xi32>
    %sub3A_248 = arith.constant 1 : i32
    %sub3A_249 = vector.broadcast %sub3A_248 : i32 to vector<40x1xi32>
    %sub3A_250 = arith.subi %broadcast_in_dim3A_247, %sub3A_249 : vector<40x1xi32>
    %swap3A_251 = arith.constant 0 : index
    %swap3A_252 = arith.constant 0 : index
    %swap3A_253 = vector.load %arg5[%swap3A_251, %swap3A_252] : memref<40x1xi32, #tpu.memory_space<vmem>>, vector<40x1xi32>
    tpu.vector_store %arg5[%swap3A_251, %swap3A_252], %sub3A_250 {strides = array<i32>} : memref<40x1xi32, #tpu.memory_space<vmem>>, vector<40x1xi32>,
    return
  }
  func.func @transform_0(%arg0: i32) -> (i32, i32) {
    %c0_i32 = arith.constant 0 : i32
    %c0_i32_0 = arith.constant 0 : i32
    %c0_i32_1 = arith.constant 0 : i32
    return %c0_i32, %c0_i32_0 : i32, i32
  }
  func.func @transform_1(%arg0: i32) -> (i32, i32) {
    %c0_i32 = arith.constant 0 : i32
    %c0_i32_0 = arith.constant 0 : i32
    %c0_i32_1 = arith.constant 0 : i32
    return %c0_i32, %c0_i32_0 : i32, i32
  }
  func.func @transform_2(%arg0: i32) -> (i32, i32) {
    %c0_i32 = arith.constant 0 : i32
    %c0_i32_0 = arith.constant 0 : i32
    %c0_i32_1 = arith.constant 0 : i32
    return %c0_i32, %c0_i32_0 : i32, i32
  }
  func.func @transform_3(%arg0: i32) -> (i32, i32) {
    %c0_i32 = arith.constant 0 : i32
    %c0_i32_0 = arith.constant 0 : i32
    %c0_i32_1 = arith.constant 0 : i32
    return %c0_i32, %c0_i32_0 : i32, i32
  }
  func.func @transform_4(%arg0: i32) -> (i32, i32) {
    %c0_i32 = arith.constant 0 : i32
    %c0_i32_0 = arith.constant 0 : i32
    %c0_i32_1 = arith.constant 0 : i32
    return %c0_i32, %c0_i32_0 : i32, i32
  }
  func.func @transform_5(%arg0: i32) -> (i32, i32) {
    %c0_i32 = arith.constant 0 : i32
    %c0_i32_0 = arith.constant 0 : i32
    %c0_i32_1 = arith.constant 0 : i32
    return %c0_i32, %c0_i32_0 : i32, i32
  }
  func.func @transform_6(%arg0: i32) -> (i32, i32) {
    %c0_i32 = arith.constant 0 : i32
    %c0_i32_0 = arith.constant 0 : i32
    %c0_i32_1 = arith.constant 0 : i32
    return %c0_i32, %c0_i32_0 : i32, i32
  }
}

module attributes {stable_mosaic.version = 14 : i64} {
  func.func @_add_kernel(%arg0: i32, %arg1: memref<1024x1024xf32, #tpu.memory_space<vmem>>, %arg2: memref<1024x1024xf32, #tpu.memory_space<vmem>>, %arg3: memref<1024x1xf32, #tpu.memory_space<vmem>>, %arg4: memref<1024x1xf32, #tpu.memory_space<vmem>>, %arg5: memref<1024x1024xf32, #tpu.memory_space<vmem>>) attributes {dimension_semantics = [#tpu.dimension_semantics<arbitrary>], iteration_bounds = array<i64: 4>, scalar_prefetch = 0 : i64, scratch_operands = 0 : i64, tpu.core_type = #tpu.core_type<tc>, window_params = [{transform_indices = @transform_0, window_bounds = array<i64: 1024, 1024>}, {transform_indices = @transform_1, window_bounds = array<i64: 1024, 1024>}, {transform_indices = @transform_2, window_bounds = array<i64: 1024, 1>}, {transform_indices = @transform_3, window_bounds = array<i64: 1024, 1>}, {transform_indices = @transform_4, window_bounds = array<i64: 1024, 1024>}]} {
    %get3A = arith.constant 0 : index
    %get3A_0 = arith.constant 0 : index
    %get3A_1 = vector.load %arg3[%get3A, %get3A_0] : memref<1024x1xf32, #tpu.memory_space<vmem>>, vector<1024x1xf32>
    %get3A_2 = arith.constant 0 : index
    %get3A_3 = arith.constant 0 : index
    %get3A_4 = vector.load %arg1[%get3A_2, %get3A_3] : memref<1024x1024xf32, #tpu.memory_space<vmem>>, vector<1024x1024xf32>
    %mul3A = vector.broadcast %get3A_1 : vector<1024x1xf32> to vector<1024x1024xf32>
    %mul3A_5 = arith.mulf %mul3A, %get3A_4 : vector<1024x1024xf32>
    %get3A_6 = arith.constant 0 : index
    %get3A_7 = arith.constant 0 : index
    %get3A_8 = vector.load %arg4[%get3A_6, %get3A_7] : memref<1024x1xf32, #tpu.memory_space<vmem>>, vector<1024x1xf32>
    %get3A_9 = arith.constant 0 : index
    %get3A_10 = arith.constant 0 : index
    %get3A_11 = vector.load %arg2[%get3A_9, %get3A_10] : memref<1024x1024xf32, #tpu.memory_space<vmem>>, vector<1024x1024xf32>
    %mul3A_12 = vector.broadcast %get3A_8 : vector<1024x1xf32> to vector<1024x1024xf32>
    %mul3A_13 = arith.mulf %mul3A_12, %get3A_11 : vector<1024x1024xf32>
    %add3A = arith.addf %mul3A_5, %mul3A_13 : vector<1024x1024xf32>
    %swap3A = arith.constant 0 : index
    %swap3A_14 = arith.constant 0 : index
    %swap3A_15 = vector.load %arg5[%swap3A, %swap3A_14] : memref<1024x1024xf32, #tpu.memory_space<vmem>>, vector<1024x1024xf32>
    tpu.vector_store %arg5[%swap3A, %swap3A_14], %add3A {strides = array<i32>} : memref<1024x1024xf32, #tpu.memory_space<vmem>>, vector<1024x1024xf32>,
    return
  }
  func.func @transform_0(%arg0: i32) -> (i32, i32) {
    %c0_i32 = arith.constant 0 : i32
    %c0_i32_0 = arith.constant 0 : i32
    return %arg0, %c0_i32 : i32, i32
  }
  func.func @transform_1(%arg0: i32) -> (i32, i32) {
    %add3A = arith.constant 4 : i32
    %add3A_0 = arith.addi %add3A, %arg0 : i32
    %c0_i32 = arith.constant 0 : i32
    %c0_i32_1 = arith.constant 0 : i32
    return %add3A_0, %c0_i32 : i32, i32
  }
  func.func @transform_2(%arg0: i32) -> (i32, i32) {
    %c0_i32 = arith.constant 0 : i32
    %c0_i32_0 = arith.constant 0 : i32
    return %arg0, %c0_i32 : i32, i32
  }
  func.func @transform_3(%arg0: i32) -> (i32, i32) {
    %c0_i32 = arith.constant 0 : i32
    %c0_i32_0 = arith.constant 0 : i32
    return %arg0, %c0_i32 : i32, i32
  }
  func.func @transform_4(%arg0: i32) -> (i32, i32) {
    %c0_i32 = arith.constant 0 : i32
    %c0_i32_0 = arith.constant 0 : i32
    return %arg0, %c0_i32 : i32, i32
  }
}

</mosaic_0001>

<sc_bundles>
// kernel: kernel.10.cloned.1.call-start
scs
__scs_entry_jumppad:
0x0: {  	(pc) =	sbr.rel $0x88, $3  }
0x1: {  	(tag) =	ssettag $0x0;
	lr =	simm.s32 $0x1  }
0x2: {  	[smem:$0x3F9E] =	sst lr;
	_ =	strace $0xD0000000  }
0x3: {  	_ = 	snop  }
0x4: {  	_ = 	snop  }
0x5: {  	_ = 	snop  }
0x6: {  	_ = 	snop  }
0x7: {  	_ = 	snop  }
__scs_overlays_trampoline_lowered:
0x8: {  	[smem:$0x3FAD] =	sst s0  }
0x9: {  	[smem:$0x3FAE] =	sst s1  }
0xa: {  	[smem:$0x3FAF] =	sst s2  }
0xb: {  	[smem:$0x3FB0] =	sst s3  }
0xc: {  	[smem:$0x3FB1] =	sst s4  }
0xd: {  	[smem:$0x3FB2] =	sst s5  }
0xe: {  	[smem:$0x3FB3] =	sst s6  }
0xf: {  	[smem:$0x3FB4] =	sst s7  }
0x10: {  	[smem:$0x3FB5] =	sst s8  }
0x11: {  	[smem:$0x3FB6] =	sst s9;
	s0 =	simm.s32 @!p0 $0x0  }
0x12: {  	s1 =	sld [smem:$0x3F9C];
	s0 =	simm.s32 @p0 $0x1  }
0x13: {  	[smem:$0x3FB7] =	sst s0;
	s0 =	simm.s32 @!p1 $0x0  }
0x14: {  	s2 =	sld [smem:$0x3F9B];
	s0 =	simm.s32 @p1 $0x1  }
0x15: {  	[smem:$0x3FB8] =	sst s0;
	s0 =	simm.s32 @!p2 $0x0  }
0x16: {  	s3 =	sld [smem:$0x3FDB];
	s0 =	simm.s32 @p2 $0x1  }
0x17: {  	s4 =	simm.s32 $0x1BF5;
	[smem:$0x3FBA] =	sst s0  }
0x18: {  	s0 =	sld [smem:$0x3F9D];
	_ =	swait.ge [sflag:s4], $0x0  }
0x19: {  	s7 =	sld [smem:$0x3F9E]  }
0x1a: {  	s8 =	sadd.s32 $0xFFFFE003, lr  }
0x1b: {  	s9 =	sadd.s32 $0xFFFFFEF7, lr;
	s5 =	simm.s32 $0xFFFFFFFF;
	p2 =	slt.u32 s8, $0xFFFFF086  }
0x1c: {  	p1 =	slt.u32 s9, $0xF7A;
	s5 =	simm.s32 @!p2 $0x0  }
0x1d: {  	s5 =	simm.s32 @p1 $0x1;
	p0 =	seq.s32 s7, s2  }
0x1e: {  	s7 =	smul.u32 @!p0 $0xF7A, s2;
	p2 =	seq.s32 @!p0 s5, $0x0  }
0x1f: {  	s9 =	smul.u32 $0xF7A, s1;
	s8 =	simm.s32 @!p0 $0x1BF5;
	p2 =	por !p2, p0  }
0x20: {  	[sflag:s8] =	ssyncset.s32 @!p0 $0xFFFFF086;
	s6 =	sadd.s32 @!p0 s3, s7;
	s7 =	simm.s32 @!p0 $0x108  }
0x21: {  	s3 =	sadd.s32 s3, s9;
	s6 =	sadd.s32 @!p0 $0x88, s6;
	s7 =	simm.s32 @p2 $0x1082  }
0x22: {  	[simem:s7], [sflag:s8] =	dma.local @!p0 [hbm:s6], $0xF7A  }
0x23: {  	s9 =	sor.u32 $0xD0000000, s2;
	s6 =	simm.s32 $0x108;
	_ =	swait.ge @!p0 [sflag:s8], $0x0  }
0x24: {  	s3 =	sadd.s32 $0x88, s3;
	s6 =	simm.s32 @!p1 $0x1082;
	[sflag:s4] =	ssyncset.s32 $0xFFFFF086  }
0x25: {  	[simem:s6], [sflag:s4] =	dma.local [hbm:s3], $0xF7A  }
0x26: {  	[smem:$0x3F9E] =	sst s1;
	(tag) =	ssettag s2;
	_ =	strace s9  }
0x27: {  	s1 =	sld [smem:$0x3FAE]  }
0x28: {  	s2 =	sld [smem:$0x3FAF]  }
0x29: {  	s4 =	sld [smem:$0x3FB1]  }
0x2a: {  	p0 =	seq.s32 s5, $0x0;
	s5 =	sld [smem:$0x3FB2]  }
0x2b: {  	s6 =	sld [smem:$0x3FB3]  }
0x2c: {  	s7 =	sld [smem:$0x3FB4]  }
0x2d: {  	s3 =	simm.s32 $0x108;
	s8 =	sld [smem:$0x3FB5]  }
0x2e: {  	s3 =	simm.s32 @!p0 $0x1082;
	s9 =	sld [smem:$0x3FB6]  }
0x2f: {  	lr =	sadd.s32 s0, s3;
	s0 =	sld [smem:$0x3FAD]  }
0x30: {  	s3 =	sld [smem:$0x3FB0]  }
0x31: {  	[smem:$0x3FB9] =	sst s10  }
0x32: {  	s10 =	sld [smem:$0x3FB7];
	_ =	sdelay $0x3  }
0x33: {  	p0 =	seq.s32 s10, $0x1;
	s10 =	sld [smem:$0x3FB9];
	_ =	sdelay $0x3  }
0x34: {  	[smem:$0x3FB9] =	sst s10  }
0x35: {  	s10 =	sld [smem:$0x3FB8];
	_ =	sdelay $0x3  }
0x36: {  	p1 =	seq.s32 s10, $0x1;
	s10 =	sld [smem:$0x3FB9];
	_ =	sdelay $0x3  }
0x37: {  	[smem:$0x3FB9] =	sst s10  }
0x38: {  	s10 =	sld [smem:$0x3FBA]  }
0x39: {  	_ = 	snop;
	(pc) =	sbr.ind lr, $3  }
0x3a: {  	_ = 	snop  }
0x3b: {  	_ = 	snop  }
0x3c: {  	p2 =	seq.s32 s10, $0x1;
	s10 =	sld [smem:$0x3FB9]  }
0x3d: {  	_ =	shalt  }
0x3e: {  	_ =	shalt  }
0x3f: {  	_ =	shalt  }
0x40: {  	_ =	shalt  }
0x41: {  	_ =	shalt  }
0x42: {  	_ =	shalt  }
0x43: {  	_ =	shalt  }
0x44: {  	_ =	shalt  }
0x45: {  	_ =	shalt  }
0x46: {  	_ =	shalt  }
0x47: {  	_ =	shalt  }
0x48: {  	_ =	shalt  }
0x49: {  	_ =	shalt  }
0x4a: {  	_ =	shalt  }
0x4b: {  	_ =	shalt  }
0x4c: {  	_ =	shalt  }
0x4d: {  	_ =	shalt  }
0x4e: {  	_ =	shalt  }
0x4f: {  	_ =	shalt  }
0x50: {  	_ =	shalt  }
0x51: {  	_ =	shalt  }
0x52: {  	_ =	shalt  }
0x53: {  	_ =	shalt  }
0x54: {  	_ =	shalt  }
0x55: {  	_ =	shalt  }
0x56: {  	_ =	shalt  }
0x57: {  	_ =	shalt  }
0x58: {  	_ =	shalt  }
0x59: {  	_ =	shalt  }
0x5a: {  	_ =	shalt  }
0x5b: {  	_ =	shalt  }
0x5c: {  	_ =	shalt  }
0x5d: {  	_ =	shalt  }
0x5e: {  	_ =	shalt  }
0x5f: {  	_ =	shalt  }
0x60: {  	_ =	shalt  }
0x61: {  	_ =	shalt  }
0x62: {  	_ =	shalt  }
0x63: {  	_ =	shalt  }
0x64: {  	_ =	shalt  }
0x65: {  	_ =	shalt  }
0x66: {  	_ =	shalt  }
0x67: {  	_ =	shalt  }
0x68: {  	_ =	shalt  }
0x69: {  	_ =	shalt  }
0x6a: {  	_ =	shalt  }
0x6b: {  	_ =	shalt  }
0x6c: {  	_ =	shalt  }
0x6d: {  	_ =	shalt  }
0x6e: {  	_ =	shalt  }
0x6f: {  	_ =	shalt  }
0x70: {  	_ =	shalt  }
0x71: {  	_ =	shalt  }
0x72: {  	_ =	shalt  }
0x73: {  	_ =	shalt  }
0x74: {  	_ =	shalt  }
0x75: {  	_ =	shalt  }
0x76: {  	_ =	shalt  }
0x77: {  	_ =	shalt  }
0x78: {  	_ =	shalt  }
0x79: {  	_ =	shalt  }
0x7a: {  	_ =	shalt  }
0x7b: {  	_ =	shalt  }
0x7c: {  	_ =	shalt  }
0x7d: {  	_ =	shalt  }
0x7e: {  	_ =	shalt  }
0x7f: {  	_ =	shalt  }
0x80: {  	_ =	shalt  }
0x81: {  	_ =	shalt  }
0x82: {  	_ =	shalt  }
0x83: {  	_ =	shalt  }
0x84: {  	_ =	shalt  }
0x85: {  	_ =	shalt  }
0x86: {  	_ =	shalt  }
0x87: {  	_ =	shalt  }
.Lfunc_end0:
.L_simem_size_0:
called_computation.1_lowered:
.L_overlay_start_0:
0x88: {  	s2 =	sld [smem:$0x3FD9]  }
0x89: {  	s3 =	sld [smem:$0x3FFE];
	_ =	sdelay $0x1  }
0x8a: {  	s1 =	srdreg.scid  }
0x8b: {  	s0 =	sand.u32 $0x1, s1  }
0x8c: {  	s16 =	sshll.u32 s0, $0xA;
	s2 =	sadd.s32 s3, s2  }
0x8d: {  	s2 =	sadd.s32 s2, s16  }
0x8e: {  	[smem:$0x3FC5] =	sst s2  }
0x8f: {  	_ = 	snop  }
0x90: {  	(tm) =	ssettm $0x1  }
0x91: {  	s17 =	sld [smem:$0x3FFB];
	_ =	sdelay $0x3  }
0x92: {  	_ =	strace s17  }
0x93: {  	s2 =	sld [smem:$0x3FFC];
	_ =	sdelay $0x3  }
0x94: {  	_ =	strace s2  }
0x95: {  	s2 =	sld [smem:$0x3FFD];
	_ =	sdelay $0x3  }
0x96: {  	_ =	strace s2  }
0x97: {  	_ =	strace $0x8FFFFFFF  }
0x98: {  	s18 =	sld [smem:$0x3FDB];
	_ =	sdelay $0x1  }
0x99: {  	s19 =	simm.s32 $_scs_section_size  }
0x9a: {  	s4 =	simm.s32 $_size__tile_overlayer_lowered;
	s5 =	simm.s32 $_tile_overlayer_lowered  }
0x9b: {  	s22 =	simm.s32 $0x1BFF;
	s21 =	sshll.u32 s5, $0x1;
	s2 =	sadd.s32 s19, s18  }
0x9c: {  	s6 =	simm.s32 $0x0;
	s20 =	sshll.u32 s4, $0x1;
	s4 =	sadd.s32 s21, s2  }
0x9d: {  	[timem:s6], [sflag:s22] =	dma.local [hbm:s4], s20  }
0x9e: {  	_ =	swait.ge [sflag:s22], s20  }
0x9f: {  	s3 =	ssub.s32 $0x0, s20;
	[sflag:s22] =	ssyncset.done $0x0  }
0xa0: {  	[sflag:s22] =	ssyncadd.s32 s3;
	_ =	sdelay $0x1  }
0xa1: {  	s23 =	simm.s32 $0x1B8B  }
0xa2: {  	_ =	swait.ge [sflag:s23], $0x1  }
0xa3: {  	[sflag:s23] =	ssyncset.done $0x0  }
0xa4: {  	s25 =	simm.s32 $0x1B8E;
	s24 =	sld [smem:$0x3FFE];
	[sflag:s23] =	ssyncadd.s32 $0xFFFFFFFF  }
0xa5: {  	s26 =	simm.s32 $execute0_lowered;
	[smem:$0x3FD2] =	sst s25  }
0xa6: {  	s4 =	sshll.u32 s26, $0x1;
	_ =	strace $0x80000049;
	[dreg:$0x1] =	wrdreg $0xFFFFFFFF  }
0xa7: {  	s28 =	simm.s32 $_size_execute0_lowered;
	s2 =	sadd.s32 s2, s4;
	[dreg:$0x0] =	wrdreg $0x0  }
0xa8: {  	s4 =	sshll.u32 s28, $0x1;
	[dreg:$0x2] =	wrdreg s2  }
0xa9: {  	[dreg:$0x3] =	wrdreg s4  }
0xaa: {  	[dreg:$0x4] =	wrdreg $0xC0  }
0xab: {  	_ =	task [dreg:s6], $0x5FFFF  }
0xac: {  	[dreg:$0x1] =	wrdreg $0xFFFFFFFF  }
0xad: {  	[dreg:$0x0] =	wrdreg $0x60  }
0xae: {  	[dreg:$0x2] =	wrdreg s24  }
0xaf: {  	[dreg:$0x3] =	wrdreg $0x9  }
0xb0: {  	_ =	task.clear_ibuf [dreg:s6], $0x4FFFF;
	_ =	strace $0x90000049  }
0xb1: {  	s29 =	simm.s32 $0x9;
	_ =	strace $0x8000004B  }
0xb2: {  	_ =	swait.ge [sflag:s29], $0x1  }
0xb3: {  	[sflag:s29] =	ssyncadd.s32 $0xFFFFFFFF  }
0xb4: {  	_ =	strace $0x9000004B  }
0xb5: {  	_ =	sfence  }
0xb6: {  	s30 =	sld [smem:$0x0];
	_ =	sdelay $0x2  }
0xb7: {  	s31 =	sshll.u32 s1, $0xD;
	s1 =	sshrl.u32 s1, $0x2  }
0xb8: {  	s3 =	sand.u32 $0x4000, s31;
	s1 =	sadd.s32 s1, s30  }
0xb9: {  	s0 =	sor.u32 s3, s0;
	s1 =	sshll.u32 s1, $0x11  }
0xba: {  	s0 =	sor.u32 s1, s0  }
0xbb: {  	s0 =	sadd.s32 $0x8F2B, s0  }
0xbc: {  	[sflag:s0] =	ssyncadd.remote.s32 $0x1  }
0xbd: {  	_ =	sfence.sel $0xFFFF  }
0xbe: {  	[dreg:$0x0] =	wrdreg $0xFFFFFFFF;
	(pc) =	sbr.abs _section_cstart, $3  }
0xbf: {  	[dreg:$0x1] =	wrdreg $0xFFFFFFFF  }
0xc0: {  	_ =	task.clear_ibuf [dreg:s6], $0x2FFFF;
	_ =	strace $0x9FFFFFFF  }
0xc1: {  	(tm) =	ssettm $0x7FFFFFFF  }
tec
execute0_lowered:
.L_overlay_start_1:
0x0: {  	(tag) =	ssettag $0x1  }
0x1: {  	s6 =	rddreg [dreg:$0x0];
	s3 =	srdreg.scid  }
0x2: {  	s2 =	simm.s32 $0x0;
	s1 =	stileid.u32;
	s11 =	simm.s32 $0x80  }
0x3: {  	s12 =	simm.s32 $0x880;
	s13 =	simm.s32 $0x1080;
	s14 =	simm.s32 $0x1880  }
0x4: {  	s15 =	simm.s32 $0x2080;
	s16 =	simm.s32 $0x2880;
	s17 =	simm.s32 $0x3080  }
0x5: {  	s18 =	simm.s32 $0x3880;
	s19 =	simm.s32 $0x4080;
	s20 =	simm.s32 $0x4880  }
0x6: {  	s21 =	simm.s32 $0x5080;
	s22 =	simm.s32 $0x5880;
	s23 =	simm.s32 $0x6080  }
0x7: {  	s24 =	simm.s32 $0x6880;
	s25 =	simm.s32 $0x7080;
	s28 =	simm.s32 $0x1  }
0x8: {  	s29 =	simm.s32 $0x0;
	s5 =	sand.u32 $0x1, s3;
	[smem:$0x7FF] =	sst s2  }
0x9: {  	s4 =	sshll.u32 s1, $0x8;
	s3 =	sadd.s32 $0x150800, s6;
	s26 =	sshll.u32 s1, $0xF  }
0xa: {  	s7 =	sshll.u32 s5, $0x7;
	_ =	strace $0x8000004A;
	s8 =	ssub.s32 $0x2, s5  }
0xb: {  	s10 =	sshll.u32 s5, $0xE;
	s5 =	sadd.s32 $0x150A00, s6;
	s4 =	sor.u32 s7, s4  }
0xc: {  	s7 =	sadd.s32 s26, s6;
	s30 =	sshrl.u32 s8, $0x1;
	s26 =	simm.s32 $0x7880  }
0xd: {  	s4 =	sshrl.u32 s4, $0x3;
	s8 =	ssub.s32 s8, s30;
	s10 =	sadd.s32 s10, s7  }
0xe: {  	v2 =	vlaneseq.u32;
	s9 =	sadd.s32 s4, s6;
	s4 =	sadd.s32 $0x150900, s6;
	s6 =	sadd.s32 $0x150B00, s6  }
0xf: {  	vm0 =	vmmov $0xffff;
	v1 =	vshrl.u32 v2, $0x3;
	s7 =	smax.u32 s8, $0x1;
	s8 =	sadd.s32 $0x90800, s10;
	s31 =	sadd.s32 $0x10600, s9  }
0x10: {  	v0 =	vand.u32 $0x7, v2;
	v2 =	vor.u32 $0x8, v2;
	v1 =	vmul.u32 $0x8, v1;
	s10 =	simm.s32 $0x2;
	s9 =	sadd.s32 $0x10400, s9;
	[dreg:$0x2] =	wrdreg s31  }
.LBB2_1:
0x11: {  	s30 =	smov.u32 s8;
	s31 =	simm.s32 $0x0  }
.LBB2_2:
0x12: {  	s0 =	sadd.s32 s31, s9  }
0x13: {  	[tilespmem:s2], [sflag:$0x2] =	stream.linear.gather [hbm4b:s0+s2], $0x20, $0x38;
	[tilespmem:$0x8080] =	vst v63  }
0x14: {  	_ =	swait.ge [sflag:s10], $0x20  }
0x15: {  	[sflag:s10] =	ssyncset.done $0x0  }
0x16: {  	[sflag:s10] =	ssyncadd.s32 $0xFFFFFFE0  }
0x17: {  	v3 =	vld [tilespmem:$0x0];
	_ =	sdelay $0x4  }
0x18: {  	v4 =	vshll.u32 v3, $0x3  }
0x19: {  	v3 =	vand.u32 $0x7, v3;
	v4 =	vand.u32 $0xFFFFFFC0, v4  }
0x1a: {  	v3 =	vor.u32 v3, v4  }
0x1b: {  	v4 =	vperm.xlane v3, v0;
	_ =	sdelay $0x1  }
0x1c: {  	v4 =	vadd.s32 v1, v4;
	_ =	sdelay $0x4  }
0x1d: {  	[tilespmem:s11], [sflag:$0x1] =	stream.indirect_vreg.gather [hbm4b:s3+s2], $0x80, v4, vm0, $0xb8;
	[tilespmem:$0x8080] =	vst v63  }
0x1e: {  	v3 =	vperm.xlane v3, v2  }
0x1f: {  	[tilespmem:s12], [sflag:$0x1] =	stream.indirect_vreg.gather [hbm4b:s4+s2], $0x80, v4, vm0, $0xb8;
	[tilespmem:$0x8080] =	vst v63  }
0x20: {  	v3 =	vadd.s32 v1, v3  }
0x21: {  	[tilespmem:s13], [sflag:$0x1] =	stream.indirect_vreg.gather [hbm4b:s5+s2], $0x80, v4, vm0, $0xb8;
	[tilespmem:$0x8080] =	vst v63  }
0x22: {  	_ = 	snop  }
0x23: {  	[tilespmem:s14], [sflag:$0x1] =	stream.indirect_vreg.gather [hbm4b:s6+s2], $0x80, v4, vm0, $0xb8;
	[tilespmem:$0x8080] =	vst v63  }
0x24: {  	_ = 	snop  }
0x25: {  	[tilespmem:s15], [sflag:$0x1] =	stream.indirect_vreg.gather [hbm4b:s3+s2], $0x80, v3, vm0, $0xb8;
	[tilespmem:$0x8080] =	vst v63  }
0x26: {  	_ = 	snop  }
0x27: {  	[tilespmem:s16], [sflag:$0x1] =	stream.indirect_vreg.gather [hbm4b:s4+s2], $0x80, v3, vm0, $0xb8;
	[tilespmem:$0x8080] =	vst v63  }
0x28: {  	_ = 	snop  }
0x29: {  	[tilespmem:s17], [sflag:$0x1] =	stream.indirect_vreg.gather [hbm4b:s5+s2], $0x80, v3, vm0, $0xb8;
	[tilespmem:$0x8080] =	vst v63  }
0x2a: {  	_ = 	snop  }
0x2b: {  	[tilespmem:s18], [sflag:$0x1] =	stream.indirect_vreg.gather [hbm4b:s6+s2], $0x80, v3, vm0, $0xb8;
	[tilespmem:$0x8080] =	vst v63  }
0x2c: {  	v3 =	vld [tilespmem:$0x10];
	_ =	sdelay $0x4  }
0x2d: {  	v61 =	vshll.u32 v3, $0x3  }
0x2e: {  	v3 =	vand.u32 $0x7, v3;
	v4 =	vand.u32 $0xFFFFFFC0, v61  }
0x2f: {  	v3 =	vor.u32 v3, v4  }
0x30: {  	v4 =	vperm.xlane v3, v0;
	_ =	sdelay $0x1  }
0x31: {  	v4 =	vadd.s32 v1, v4;
	_ =	sdelay $0x4  }
0x32: {  	[tilespmem:s19], [sflag:$0x1] =	stream.indirect_vreg.gather [hbm4b:s3+s2], $0x80, v4, vm0, $0xb8;
	[tilespmem:$0x8080] =	vst v63  }
0x33: {  	v3 =	vperm.xlane v3, v2  }
0x34: {  	[tilespmem:s20], [sflag:$0x1] =	stream.indirect_vreg.gather [hbm4b:s4+s2], $0x80, v4, vm0, $0xb8;
	[tilespmem:$0x8080] =	vst v63  }
0x35: {  	v3 =	vadd.s32 v1, v3  }
0x36: {  	[tilespmem:s21], [sflag:$0x1] =	stream.indirect_vreg.gather [hbm4b:s5+s2], $0x80, v4, vm0, $0xb8;
	[tilespmem:$0x8080] =	vst v63  }
0x37: {  	_ = 	snop  }
0x38: {  	[tilespmem:s22], [sflag:$0x1] =	stream.indirect_vreg.gather [hbm4b:s6+s2], $0x80, v4, vm0, $0xb8;
	[tilespmem:$0x8080] =	vst v63  }
0x39: {  	_ = 	snop  }
0x3a: {  	[tilespmem:s23], [sflag:$0x1] =	stream.indirect_vreg.gather [hbm4b:s3+s2], $0x80, v3, vm0, $0xb8;
	[tilespmem:$0x8080] =	vst v63  }
0x3b: {  	_ = 	snop  }
0x3c: {  	[tilespmem:s24], [sflag:$0x1] =	stream.indirect_vreg.gather [hbm4b:s4+s2], $0x80, v3, vm0, $0xb8;
	[tilespmem:$0x8080] =	vst v63  }
0x3d: {  	_ = 	snop  }
0x3e: {  	[tilespmem:s25], [sflag:$0x1] =	stream.indirect_vreg.gather [hbm4b:s5+s2], $0x80, v3, vm0, $0xb8;
	[tilespmem:$0x8080] =	vst v63  }
0x3f: {  	_ = 	snop  }
0x40: {  	[tilespmem:s26], [sflag:$0x1] =	stream.indirect_vreg.gather [hbm4b:s6+s2], $0x80, v3, vm0, $0xb8;
	[tilespmem:$0x8080] =	vst v63  }
0x41: {  	_ =	swait.ge [sflag:s28], $0x8000  }
0x42: {  	[sflag:s28] =	ssyncset.done $0x0  }
0x43: {  	s0 =	sadd.s32 $0xFFF80000, s30;
	[sflag:s28] =	ssyncadd.s32 $0xFFFF8000  }
0x44: {  	[hbm4b:s0+s2] =	stream.linear.scatter [tilespmem:s11], [sflag:$0x2], $0x8000, $0x38;
	[tilespmem:$0x8080] =	vst v63  }
0x45: {  	_ =	swait.ge [sflag:s10], $0x8000  }
0x46: {  	s0 =	rddreg [dreg:$0x2];
	[sflag:s10] =	ssyncset.done $0x0  }
0x47: {  	[sflag:s10] =	ssyncadd.s32 $0xFFFF8000;
	s0 =	sadd.s32 s31, s0  }
0x48: {  	[tilespmem:s2], [sflag:$0x2] =	stream.linear.gather [hbm4b:s0+s2], $0x20, $0x38;
	[tilespmem:$0x8080] =	vst v63  }
0x49: {  	_ =	swait.ge [sflag:s10], $0x20  }
0x4a: {  	[sflag:s10] =	ssyncset.done $0x0  }
0x4b: {  	[sflag:s10] =	ssyncadd.s32 $0xFFFFFFE0  }
0x4c: {  	v3 =	vld [tilespmem:$0x0];
	_ =	sdelay $0x4  }
0x4d: {  	v62 =	vshll.u32 v3, $0x3  }
0x4e: {  	v3 =	vand.u32 $0x7, v3;
	v4 =	vand.u32 $0xFFFFFFC0, v62  }
0x4f: {  	v3 =	vor.u32 v3, v4  }
0x50: {  	v4 =	vperm.xlane v3, v0;
	_ =	sdelay $0x1  }
0x51: {  	v4 =	vadd.s32 v1, v4;
	_ =	sdelay $0x4  }
0x52: {  	[tilespmem:s11], [sflag:$0x1] =	stream.indirect_vreg.gather [hbm4b:s3+s2], $0x80, v4, vm0, $0xb8;
	[tilespmem:$0x8080] =	vst v63  }
0x53: {  	v3 =	vperm.xlane v3, v2  }
0x54: {  	[tilespmem:s12], [sflag:$0x1] =	stream.indirect_vreg.gather [hbm4b:s4+s2], $0x80, v4, vm0, $0xb8;
	[tilespmem:$0x8080] =	vst v63  }
0x55: {  	v3 =	vadd.s32 v1, v3  }
0x56: {  	[tilespmem:s13], [sflag:$0x1] =	stream.indirect_vreg.gather [hbm4b:s5+s2], $0x80, v4, vm0, $0xb8;
	[tilespmem:$0x8080] =	vst v63  }
0x57: {  	_ = 	snop  }
0x58: {  	[tilespmem:s14], [sflag:$0x1] =	stream.indirect_vreg.gather [hbm4b:s6+s2], $0x80, v4, vm0, $0xb8;
	[tilespmem:$0x8080] =	vst v63  }
0x59: {  	_ = 	snop  }
0x5a: {  	[tilespmem:s15], [sflag:$0x1] =	stream.indirect_vreg.gather [hbm4b:s3+s2], $0x80, v3, vm0, $0xb8;
	[tilespmem:$0x8080] =	vst v63  }
0x5b: {  	_ = 	snop  }
0x5c: {  	[tilespmem:s16], [sflag:$0x1] =	stream.indirect_vreg.gather [hbm4b:s4+s2], $0x80, v3, vm0, $0xb8;
	[tilespmem:$0x8080] =	vst v63  }
0x5d: {  	_ = 	snop  }
0x5e: {  	[tilespmem:s17], [sflag:$0x1] =	stream.indirect_vreg.gather [hbm4b:s5+s2], $0x80, v3, vm0, $0xb8;
	[tilespmem:$0x8080] =	vst v63  }
0x5f: {  	_ = 	snop  }
0x60: {  	[tilespmem:s18], [sflag:$0x1] =	stream.indirect_vreg.gather [hbm4b:s6+s2], $0x80, v3, vm0, $0xb8;
	[tilespmem:$0x8080] =	vst v63  }
0x61: {  	v3 =	vld [tilespmem:$0x10];
	_ =	sdelay $0x4  }
0x62: {  	v63 =	vshll.u32 v3, $0x3  }
0x63: {  	v3 =	vand.u32 $0x7, v3;
	v4 =	vand.u32 $0xFFFFFFC0, v63  }
0x64: {  	v3 =	vor.u32 v3, v4  }
0x65: {  	v4 =	vperm.xlane v3, v0;
	_ =	sdelay $0x1  }
0x66: {  	v4 =	vadd.s32 v1, v4;
	_ =	sdelay $0x4  }
0x67: {  	[tilespmem:s19], [sflag:$0x1] =	stream.indirect_vreg.gather [hbm4b:s3+s2], $0x80, v4, vm0, $0xb8;
	[tilespmem:$0x8080] =	vst v63  }
0x68: {  	v3 =	vperm.xlane v3, v2  }
0x69: {  	[tilespmem:s20], [sflag:$0x1] =	stream.indirect_vreg.gather [hbm4b:s4+s2], $0x80, v4, vm0, $0xb8;
	[tilespmem:$0x8080] =	vst v63  }
0x6a: {  	v3 =	vadd.s32 v1, v3  }
0x6b: {  	[tilespmem:s21], [sflag:$0x1] =	stream.indirect_vreg.gather [hbm4b:s5+s2], $0x80, v4, vm0, $0xb8;
	[tilespmem:$0x8080] =	vst v63  }
0x6c: {  	_ = 	snop  }
0x6d: {  	[tilespmem:s22], [sflag:$0x1] =	stream.indirect_vreg.gather [hbm4b:s6+s2], $0x80, v4, vm0, $0xb8;
	[tilespmem:$0x8080] =	vst v63  }
0x6e: {  	_ = 	snop  }
0x6f: {  	[tilespmem:s23], [sflag:$0x1] =	stream.indirect_vreg.gather [hbm4b:s3+s2], $0x80, v3, vm0, $0xb8;
	[tilespmem:$0x8080] =	vst v63  }
0x70: {  	_ = 	snop  }
0x71: {  	[tilespmem:s24], [sflag:$0x1] =	stream.indirect_vreg.gather [hbm4b:s4+s2], $0x80, v3, vm0, $0xb8;
	[tilespmem:$0x8080] =	vst v63  }
0x72: {  	_ = 	snop  }
0x73: {  	[tilespmem:s25], [sflag:$0x1] =	stream.indirect_vreg.gather [hbm4b:s5+s2], $0x80, v3, vm0, $0xb8;
	[tilespmem:$0x8080] =	vst v63  }
0x74: {  	_ = 	snop  }
0x75: {  	[tilespmem:s26], [sflag:$0x1] =	stream.indirect_vreg.gather [hbm4b:s6+s2], $0x80, v3, vm0, $0xb8;
	[tilespmem:$0x8080] =	vst v63  }
0x76: {  	_ =	swait.ge [sflag:s28], $0x8000  }
0x77: {  	p0 =	sne.s32 s31, $0xC;
	[sflag:s28] =	ssyncset.done $0x0  }
.Ltmp0:
0x78: {  	[sflag:s28] =	ssyncadd.s32 $0xFFFF8000;
	(pc) =	sbr.rel @p0 .LBB2_2-.Ltmp0, $4  }
0x79: {  	[hbm4b:s30+s2] =	stream.linear.scatter [tilespmem:s11], [sflag:$0x2], $0x8000, $0x38;
	[tilespmem:$0x8080] =	vst v63  }
0x7a: {  	_ =	swait.ge [sflag:s10], $0x8000  }
0x7b: {  	[sflag:s10] =	ssyncset.done $0x0  }
0x7c: {  	s31 =	sadd.s32 $0x4, s31;
	s30 =	sadd.s32 $0x1000, s30;
	[sflag:s10] =	ssyncadd.s32 $0xFFFF8000  }
0x7d: {  	s29 =	sadd.s32 $0x1, s29  }
0x7e: {  	p0 =	sne.s32 s29, s7  }
.Ltmp1:
0x7f: {  	_ = 	snop;
	(pc) =	sbr.rel @p0 .LBB2_1-.Ltmp1, $1  }
0x80: {  	_ =	sdelay $0x3  }
0x81: {  	_ =	sfence.sel $0x180000  }
0x82: {  	[bflag:$0x0] =	sbarrier.arrive $0xFFFF  }
0x83: {  	_ =	strace $0x9000004A  }
0x84: {  	[bflag:$0x2] =	sbarrier.arrive $0xFFFF  }
0x85: {  	p0 =	sne.s32 s1, $0x0;
	s0 =	rddreg [dreg:$0x1]  }
0x86: {  	s0 =	sadd.s32 @!p0 $0x100000, s0  }
0x87: {  	[sflag:s0] =	ssyncadd.tile.s32 @!p0 $0x1;
	_ =	shalt  }
.Lfunc_end2:
_tile_overlayer_lowered:
.L_overlay_start_2:
0x88: {  	(tag) =	ssettag $0x2  }
0x89: {  	s0 =	rddreg [dreg:$0x0];
	s2 =	stileid.u32  }
0x8a: {  	s1 =	rddreg [dreg:$0x1];
	p0 =	sne.s32 s2, $0x0  }
0x8b: {  	s3 =	rddreg [dreg:$0x2];
	[bflag:$0x3] =	sbarrier.arrive $0xFFFF;
	s2 =	simm.s32 @!p0 $0x1C02  }
0x8c: {  	[timem:s3], [sflag:s2] =	dma.local @!p0 [hbm:s0], s1  }
0x8d: {  	s0 =	simm.s32 @!p0 $0x2  }
0x8e: {  	_ =	swait.ge @!p0 [sflag:s0], s1  }
0x8f: {  	s1 =	ssub.s32 @!p0 $0x0, s1;
	[sflag:s0] =	ssyncset.done @!p0 $0x0  }
0x90: {  	[sflag:s0] =	ssyncadd.s32 @!p0 s1  }
0x91: {  	[bflag:$0x3] =	sbarrier.arrive $0xFFFF  }
0x92: {  	_ =	shalt  }

// kernel: kernel.7.cloned.1.call-start
scs
__scs_entry_jumppad:
0x0: {  	(pc) =	sbr.rel $0x88, $3  }
0x1: {  	(tag) =	ssettag $0x0;
	lr =	simm.s32 $0x1  }
0x2: {  	[smem:$0x3F9E] =	sst lr;
	_ =	strace $0xD0000000  }
0x3: {  	_ = 	snop  }
0x4: {  	_ = 	snop  }
0x5: {  	_ = 	snop  }
0x6: {  	_ = 	snop  }
0x7: {  	_ = 	snop  }
__scs_overlays_trampoline_lowered:
0x8: {  	[smem:$0x3FAD] =	sst s0  }
0x9: {  	[smem:$0x3FAE] =	sst s1  }
0xa: {  	[smem:$0x3FAF] =	sst s2  }
0xb: {  	[smem:$0x3FB0] =	sst s3  }
0xc: {  	[smem:$0x3FB1] =	sst s4  }
0xd: {  	[smem:$0x3FB2] =	sst s5  }
0xe: {  	[smem:$0x3FB3] =	sst s6  }
0xf: {  	[smem:$0x3FB4] =	sst s7  }
0x10: {  	[smem:$0x3FB5] =	sst s8  }
0x11: {  	[smem:$0x3FB6] =	sst s9;
	s0 =	simm.s32 @!p0 $0x0  }
0x12: {  	s1 =	sld [smem:$0x3F9C];
	s0 =	simm.s32 @p0 $0x1  }
0x13: {  	[smem:$0x3FB7] =	sst s0;
	s0 =	simm.s32 @!p1 $0x0  }
0x14: {  	s2 =	sld [smem:$0x3F9B];
	s0 =	simm.s32 @p1 $0x1  }
0x15: {  	[smem:$0x3FB8] =	sst s0;
	s0 =	simm.s32 @!p2 $0x0  }
0x16: {  	s3 =	sld [smem:$0x3FDB];
	s0 =	simm.s32 @p2 $0x1  }
0x17: {  	s4 =	simm.s32 $0x1BF5;
	[smem:$0x3FBA] =	sst s0  }
0x18: {  	s0 =	sld [smem:$0x3F9D];
	_ =	swait.ge [sflag:s4], $0x0  }
0x19: {  	s7 =	sld [smem:$0x3F9E]  }
0x1a: {  	s8 =	sadd.s32 $0xFFFFE003, lr  }
0x1b: {  	s9 =	sadd.s32 $0xFFFFFEF7, lr;
	s5 =	simm.s32 $0xFFFFFFFF;
	p2 =	slt.u32 s8, $0xFFFFF086  }
0x1c: {  	p1 =	slt.u32 s9, $0xF7A;
	s5 =	simm.s32 @!p2 $0x0  }
0x1d: {  	s5 =	simm.s32 @p1 $0x1;
	p0 =	seq.s32 s7, s2  }
0x1e: {  	s7 =	smul.u32 @!p0 $0xF7A, s2;
	p2 =	seq.s32 @!p0 s5, $0x0  }
0x1f: {  	s9 =	smul.u32 $0xF7A, s1;
	s8 =	simm.s32 @!p0 $0x1BF5;
	p2 =	por !p2, p0  }
0x20: {  	[sflag:s8] =	ssyncset.s32 @!p0 $0xFFFFF086;
	s6 =	sadd.s32 @!p0 s3, s7;
	s7 =	simm.s32 @!p0 $0x108  }
0x21: {  	s3 =	sadd.s32 s3, s9;
	s6 =	sadd.s32 @!p0 $0x88, s6;
	s7 =	simm.s32 @p2 $0x1082  }
0x22: {  	[simem:s7], [sflag:s8] =	dma.local @!p0 [hbm:s6], $0xF7A  }
0x23: {  	s9 =	sor.u32 $0xD0000000, s2;
	s6 =	simm.s32 $0x108;
	_ =	swait.ge @!p0 [sflag:s8], $0x0  }
0x24: {  	s3 =	sadd.s32 $0x88, s3;
	s6 =	simm.s32 @!p1 $0x1082;
	[sflag:s4] =	ssyncset.s32 $0xFFFFF086  }
0x25: {  	[simem:s6], [sflag:s4] =	dma.local [hbm:s3], $0xF7A  }
0x26: {  	[smem:$0x3F9E] =	sst s1;
	(tag) =	ssettag s2;
	_ =	strace s9  }
0x27: {  	s1 =	sld [smem:$0x3FAE]  }
0x28: {  	s2 =	sld [smem:$0x3FAF]  }
0x29: {  	s4 =	sld [smem:$0x3FB1]  }
0x2a: {  	p0 =	seq.s32 s5, $0x0;
	s5 =	sld [smem:$0x3FB2]  }
0x2b: {  	s6 =	sld [smem:$0x3FB3]  }
0x2c: {  	s7 =	sld [smem:$0x3FB4]  }
0x2d: {  	s3 =	simm.s32 $0x108;
	s8 =	sld [smem:$0x3FB5]  }
0x2e: {  	s3 =	simm.s32 @!p0 $0x1082;
	s9 =	sld [smem:$0x3FB6]  }
0x2f: {  	lr =	sadd.s32 s0, s3;
	s0 =	sld [smem:$0x3FAD]  }
0x30: {  	s3 =	sld [smem:$0x3FB0]  }
0x31: {  	[smem:$0x3FB9] =	sst s10  }
0x32: {  	s10 =	sld [smem:$0x3FB7];
	_ =	sdelay $0x3  }
0x33: {  	p0 =	seq.s32 s10, $0x1;
	s10 =	sld [smem:$0x3FB9];
	_ =	sdelay $0x3  }
0x34: {  	[smem:$0x3FB9] =	sst s10  }
0x35: {  	s10 =	sld [smem:$0x3FB8];
	_ =	sdelay $0x3  }
0x36: {  	p1 =	seq.s32 s10, $0x1;
	s10 =	sld [smem:$0x3FB9];
	_ =	sdelay $0x3  }
0x37: {  	[smem:$0x3FB9] =	sst s10  }
0x38: {  	s10 =	sld [smem:$0x3FBA]  }
0x39: {  	_ = 	snop;
	(pc) =	sbr.ind lr, $3  }
0x3a: {  	_ = 	snop  }
0x3b: {  	_ = 	snop  }
0x3c: {  	p2 =	seq.s32 s10, $0x1;
	s10 =	sld [smem:$0x3FB9]  }
0x3d: {  	_ =	shalt  }
0x3e: {  	_ =	shalt  }
0x3f: {  	_ =	shalt  }
0x40: {  	_ =	shalt  }
0x41: {  	_ =	shalt  }
0x42: {  	_ =	shalt  }
0x43: {  	_ =	shalt  }
0x44: {  	_ =	shalt  }
0x45: {  	_ =	shalt  }
0x46: {  	_ =	shalt  }
0x47: {  	_ =	shalt  }
0x48: {  	_ =	shalt  }
0x49: {  	_ =	shalt  }
0x4a: {  	_ =	shalt  }
0x4b: {  	_ =	shalt  }
0x4c: {  	_ =	shalt  }
0x4d: {  	_ =	shalt  }
0x4e: {  	_ =	shalt  }
0x4f: {  	_ =	shalt  }
0x50: {  	_ =	shalt  }
0x51: {  	_ =	shalt  }
0x52: {  	_ =	shalt  }
0x53: {  	_ =	shalt  }
0x54: {  	_ =	shalt  }
0x55: {  	_ =	shalt  }
0x56: {  	_ =	shalt  }
0x57: {  	_ =	shalt  }
0x58: {  	_ =	shalt  }
0x59: {  	_ =	shalt  }
0x5a: {  	_ =	shalt  }
0x5b: {  	_ =	shalt  }
0x5c: {  	_ =	shalt  }
0x5d: {  	_ =	shalt  }
0x5e: {  	_ =	shalt  }
0x5f: {  	_ =	shalt  }
0x60: {  	_ =	shalt  }
0x61: {  	_ =	shalt  }
0x62: {  	_ =	shalt  }
0x63: {  	_ =	shalt  }
0x64: {  	_ =	shalt  }
0x65: {  	_ =	shalt  }
0x66: {  	_ =	shalt  }
0x67: {  	_ =	shalt  }
0x68: {  	_ =	shalt  }
0x69: {  	_ =	shalt  }
0x6a: {  	_ =	shalt  }
0x6b: {  	_ =	shalt  }
0x6c: {  	_ =	shalt  }
0x6d: {  	_ =	shalt  }
0x6e: {  	_ =	shalt  }
0x6f: {  	_ =	shalt  }
0x70: {  	_ =	shalt  }
0x71: {  	_ =	shalt  }
0x72: {  	_ =	shalt  }
0x73: {  	_ =	shalt  }
0x74: {  	_ =	shalt  }
0x75: {  	_ =	shalt  }
0x76: {  	_ =	shalt  }
0x77: {  	_ =	shalt  }
0x78: {  	_ =	shalt  }
0x79: {  	_ =	shalt  }
0x7a: {  	_ =	shalt  }
0x7b: {  	_ =	shalt  }
0x7c: {  	_ =	shalt  }
0x7d: {  	_ =	shalt  }
0x7e: {  	_ =	shalt  }
0x7f: {  	_ =	shalt  }
0x80: {  	_ =	shalt  }
0x81: {  	_ =	shalt  }
0x82: {  	_ =	shalt  }
0x83: {  	_ =	shalt  }
0x84: {  	_ =	shalt  }
0x85: {  	_ =	shalt  }
0x86: {  	_ =	shalt  }
0x87: {  	_ =	shalt  }
.Lfunc_end0:
.L_simem_size_0:
called_computation_lowered:
.L_overlay_start_0:
0x88: {  	s2 =	sld [smem:$0x3FD9]  }
0x89: {  	s3 =	sld [smem:$0x3FFE];
	_ =	sdelay $0x1  }
0x8a: {  	s1 =	srdreg.scid  }
0x8b: {  	s0 =	sand.u32 $0x1, s1  }
0x8c: {  	s17 =	sshll.u32 s0, $0xA;
	s2 =	sadd.s32 s3, s2  }
0x8d: {  	s2 =	sadd.s32 s2, s17  }
0x8e: {  	[smem:$0x3FC5] =	sst s2  }
0x8f: {  	_ = 	snop  }
0x90: {  	s2 =	sld [smem:$0x3FC9];
	(tm) =	ssettm $0x1  }
0x91: {  	s18 =	sld [smem:$0x3FFB];
	_ =	sdelay $0x3  }
0x92: {  	_ =	strace s18  }
0x93: {  	s3 =	sld [smem:$0x3FFC];
	_ =	sdelay $0x3  }
0x94: {  	_ =	strace s3  }
0x95: {  	s3 =	sld [smem:$0x3FFD];
	_ =	sdelay $0x3  }
0x96: {  	_ =	strace s3  }
0x97: {  	_ =	strace $0x8FFFFFFF  }
0x98: {  	s19 =	sld [smem:$0x3FDB];
	_ =	sdelay $0x1  }
0x99: {  	s4 =	simm.s32 $_scs_section_size  }
0x9a: {  	s5 =	simm.s32 $_size__tile_overlayer_lowered;
	s6 =	simm.s32 $_tile_overlayer_lowered  }
0x9b: {  	s22 =	simm.s32 $0x1BFF;
	s21 =	sshll.u32 s6, $0x1;
	s3 =	sadd.s32 s4, s19  }
0x9c: {  	s7 =	simm.s32 $0x0;
	s20 =	sshll.u32 s5, $0x1;
	s5 =	sadd.s32 s21, s3  }
0x9d: {  	[timem:s7], [sflag:s22] =	dma.local [hbm:s5], s20  }
0x9e: {  	_ =	swait.ge [sflag:s22], s20  }
0x9f: {  	s4 =	ssub.s32 $0x0, s20;
	[sflag:s22] =	ssyncset.done $0x0  }
0xa0: {  	[sflag:s22] =	ssyncadd.s32 s4;
	_ =	sdelay $0x1  }
0xa1: {  	s23 =	simm.s32 $0x1B8B  }
0xa2: {  	_ =	swait.ge [sflag:s23], $0x1  }
0xa3: {  	[sflag:s23] =	ssyncset.done $0x0  }
0xa4: {  	s25 =	simm.s32 $0x1B8E;
	s24 =	sld [smem:$0x3FFE];
	[sflag:s23] =	ssyncadd.s32 $0xFFFFFFFF  }
0xa5: {  	s26 =	simm.s32 $execute0_lowered;
	[smem:$0x3FD2] =	sst s25  }
0xa6: {  	s5 =	sshll.u32 s26, $0x1;
	_ =	strace $0x80000046;
	[dreg:$0x1] =	wrdreg $0xFFFFFFFF  }
0xa7: {  	s28 =	simm.s32 $_size_execute0_lowered;
	s3 =	sadd.s32 s3, s5;
	[dreg:$0x0] =	wrdreg $0x0  }
0xa8: {  	s5 =	sshll.u32 s28, $0x1;
	[dreg:$0x2] =	wrdreg s3  }
0xa9: {  	[dreg:$0x3] =	wrdreg s5  }
0xaa: {  	[dreg:$0x4] =	wrdreg $0xC0  }
0xab: {  	_ =	task [dreg:s7], $0x5FFFF  }
0xac: {  	[dreg:$0x1] =	wrdreg $0xFFFFFFFF  }
0xad: {  	[dreg:$0x0] =	wrdreg $0x60  }
0xae: {  	[dreg:$0x2] =	wrdreg s2  }
0xaf: {  	[dreg:$0x3] =	wrdreg s24  }
0xb0: {  	[dreg:$0x4] =	wrdreg $0x9  }
0xb1: {  	_ =	task.clear_ibuf [dreg:s7], $0x5FFFF;
	_ =	strace $0x90000046  }
0xb2: {  	s29 =	simm.s32 $0x9;
	_ =	strace $0x80000048  }
0xb3: {  	_ =	swait.ge [sflag:s29], $0x1  }
0xb4: {  	[sflag:s29] =	ssyncadd.s32 $0xFFFFFFFF  }
0xb5: {  	_ =	strace $0x90000048  }
0xb6: {  	_ =	sfence  }
0xb7: {  	s30 =	sld [smem:$0x0];
	_ =	sdelay $0x2  }
0xb8: {  	s31 =	sshll.u32 s1, $0xD;
	s1 =	sshrl.u32 s1, $0x2  }
0xb9: {  	s3 =	sand.u32 $0x4000, s31;
	s1 =	sadd.s32 s1, s30  }
0xba: {  	s0 =	sor.u32 s3, s0;
	s1 =	sshll.u32 s1, $0x11  }
0xbb: {  	s0 =	sor.u32 s1, s0  }
0xbc: {  	s0 =	sadd.s32 $0x8F2B, s0  }
0xbd: {  	[sflag:s0] =	ssyncadd.remote.s32 $0x1  }
0xbe: {  	_ =	sfence.sel $0xFFFF  }
0xbf: {  	[dreg:$0x0] =	wrdreg $0xFFFFFFFF;
	(pc) =	sbr.abs _section_cstart, $3  }
0xc0: {  	[dreg:$0x1] =	wrdreg $0xFFFFFFFF  }
0xc1: {  	_ =	task.clear_ibuf [dreg:s7], $0x2FFFF;
	_ =	strace $0x9FFFFFFF  }
0xc2: {  	(tm) =	ssettm $0x7FFFFFFF  }
0xc3: {  	_ =	shalt  }
tec
execute0_lowered:
.L_overlay_start_1:
0x0: {  	(tag) =	ssettag $0x1  }
0x1: {  	s0 =	rddreg [dreg:$0x1]  }
0x2: {  	s2 =	simm.s32 $0x0;
	s1 =	srdreg.scid;
	s5 =	stileid.u32  }
0x3: {  	s13 =	simm.s32 $0x1;
	s14 =	simm.s32 $0x2080;
	s15 =	simm.s32 $0x2880  }
0x4: {  	s16 =	simm.s32 $0x3080;
	s17 =	simm.s32 $0x3880;
	s18 =	simm.s32 $0x4080  }
0x5: {  	s19 =	simm.s32 $0x4880;
	s20 =	simm.s32 $0x5080;
	s28 =	simm.s32 $0x6080  }
0x6: {  	s29 =	simm.s32 $0x6880;
	s30 =	simm.s32 $0x7080;
	s31 =	simm.s32 $0x7880  }
0x7: {  	s11 =	simm.s32 $0x9080;
	s12 =	simm.s32 $0xB880;
	[smem:$0x7FF] =	sst s2  }
0x8: {  	s1 =	sand.u32 $0x1, s1;
	s3 =	sadd.s32 $0x10400, s0;
	s23 =	sadd.s32 $0x10600, s0  }
0x9: {  	s6 =	sadd.s32 $0x10800, s0;
	s25 =	sshll.u32 s5, $0x8;
	s8 =	sadd.s32 $0x10900, s0  }
0xa: {  	s9 =	sadd.s32 $0x10A00, s0;
	s10 =	sadd.s32 $0x10B00, s0;
	s0 =	simm.s32 $0x0  }
0xb: {  	s5 =	simm.s32 $0xB080;
	_ =	strace $0x80000047;
	[dreg:$0x3] =	wrdreg s3  }
0xc: {  	[dreg:$0x4] =	wrdreg s23;
	s24 =	ssub.s32 $0x2, s1;
	s1 =	sshll.u32 s1, $0x7  }
0xd: {  	s23 =	simm.s32 $0xA880;
	s4 =	sshrl.u32 s24, $0x1;
	s1 =	sor.u32 s1, s25  }
0xe: {  	v2 =	vlaneseq.u32;
	s25 =	simm.s32 $0x1880;
	s3 =	ssub.s32 s24, s4;
	[dreg:$0x5] =	wrdreg s1  }
0xf: {  	vm0 =	vmmov $0xffff;
	v1 =	vshrl.u32 v2, $0x3;
	s1 =	simm.s32 $0x80;
	s4 =	simm.s32 $0xA080;
	s26 =	smax.u32 s3, $0x1  }
0x10: {  	v0 =	vand.u32 $0x7, v2;
	v2 =	vor.u32 $0x8, v2;
	v1 =	vmul.u32 $0x8, v1;
	s3 =	simm.s32 $0x8880;
	[dreg:$0x6] =	wrdreg s26;
	s26 =	simm.s32 $0x5880  }
.LBB2_1:
0x11: {  	[dreg:$0x7] =	wrdreg s0;
	p0 =	por $0x1, $0x1;
	s21 =	simm.s32 $0x0  }
.LBB2_2:
0x12: {  	s7 =	rddreg [dreg:$0x5]  }
0x13: {  	s21 =	sor.u32 s7, s21  }
0x14: {  	s24 =	rddreg [dreg:$0x0];
	s22 =	sshll.u32 s21, $0x7  }
0x15: {  	s22 =	sadd.s32 s24, s22  }
0x16: {  	[tilespmem:s1], [sflag:$0x1] =	stream.linear.gather [hbm4b:s22+s2], $0x10000, $0x38;
	[tilespmem:$0x10080] =	vst v63  }
0x17: {  	_ =	swait.ge [sflag:s13], $0x10000  }
0x18: {  	s21 =	sshrl.u32 s21, $0x3;
	[sflag:s13] =	ssyncset.done $0x0;
	s7 =	rddreg [dreg:$0x3]  }
0x19: {  	[sflag:s13] =	ssyncadd.s32 $0xFFFF0000;
	s22 =	sadd.s32 s7, s21  }
0x1a: {  	[tilespmem:s2], [sflag:$0x1] =	stream.linear.gather [hbm4b:s22+s2], $0x40, $0x38;
	[tilespmem:$0x10080] =	vst v63  }
0x1b: {  	_ =	swait.ge [sflag:s13], $0x40  }
0x1c: {  	[sflag:s13] =	ssyncset.done $0x0  }
0x1d: {  	[sflag:s13] =	ssyncadd.s32 $0xFFFFFFC0  }
0x1e: {  	v3 =	vld [tilespmem:$0x0];
	_ =	sdelay $0x4  }
0x1f: {  	v4 =	vshll.u32 v3, $0x3  }
0x20: {  	v3 =	vand.u32 $0x7, v3;
	v4 =	vand.u32 $0xFFFFFFC0, v4  }
0x21: {  	v3 =	vor.u32 v3, v4  }
0x22: {  	v4 =	vperm.xlane v3, v0;
	_ =	sdelay $0x1  }
0x23: {  	v4 =	vadd.s32 v1, v4;
	_ =	sdelay $0x4  }
0x24: {  	[hbm4b:s6+s2] =	stream.indirect_vreg.scatter [tilespmem:s1], [sflag:$0x1], $0x80, v4, vm0, $0xb8;
	[tilespmem:$0x10080] =	vst v63  }
0x25: {  	s24 =	simm.s32 $0x880;
	v3 =	vperm.xlane v3, v2  }
0x26: {  	[hbm4b:s8+s2] =	stream.indirect_vreg.scatter [tilespmem:s24], [sflag:$0x1], $0x80, v4, vm0, $0xb8;
	[tilespmem:$0x10080] =	vst v63  }
0x27: {  	s7 =	simm.s32 $0x1080;
	v3 =	vadd.s32 v1, v3  }
0x28: {  	[hbm4b:s9+s2] =	stream.indirect_vreg.scatter [tilespmem:s7], [sflag:$0x1], $0x80, v4, vm0, $0xb8;
	[tilespmem:$0x10080] =	vst v63  }
0x29: {  	_ = 	snop  }
0x2a: {  	[hbm4b:s10+s2] =	stream.indirect_vreg.scatter [tilespmem:s25], [sflag:$0x1], $0x80, v4, vm0, $0xb8;
	[tilespmem:$0x10080] =	vst v63  }
0x2b: {  	_ = 	snop  }
0x2c: {  	[hbm4b:s6+s2] =	stream.indirect_vreg.scatter [tilespmem:s14], [sflag:$0x1], $0x80, v3, vm0, $0xb8;
	[tilespmem:$0x10080] =	vst v63  }
0x2d: {  	_ = 	snop  }
0x2e: {  	[hbm4b:s8+s2] =	stream.indirect_vreg.scatter [tilespmem:s15], [sflag:$0x1], $0x80, v3, vm0, $0xb8;
	[tilespmem:$0x10080] =	vst v63  }
0x2f: {  	_ = 	snop  }
0x30: {  	[hbm4b:s9+s2] =	stream.indirect_vreg.scatter [tilespmem:s16], [sflag:$0x1], $0x80, v3, vm0, $0xb8;
	[tilespmem:$0x10080] =	vst v63  }
0x31: {  	_ = 	snop  }
0x32: {  	[hbm4b:s10+s2] =	stream.indirect_vreg.scatter [tilespmem:s17], [sflag:$0x1], $0x80, v3, vm0, $0xb8;
	[tilespmem:$0x10080] =	vst v63  }
0x33: {  	v3 =	vld [tilespmem:$0x10];
	_ =	sdelay $0x4  }
0x34: {  	v57 =	vshll.u32 v3, $0x3  }
0x35: {  	v3 =	vand.u32 $0x7, v3;
	v4 =	vand.u32 $0xFFFFFFC0, v57  }
0x36: {  	v3 =	vor.u32 v3, v4  }
0x37: {  	v4 =	vperm.xlane v3, v0;
	_ =	sdelay $0x1  }
0x38: {  	v4 =	vadd.s32 v1, v4;
	_ =	sdelay $0x4  }
0x39: {  	[hbm4b:s6+s2] =	stream.indirect_vreg.scatter [tilespmem:s18], [sflag:$0x1], $0x80, v4, vm0, $0xb8;
	[tilespmem:$0x10080] =	vst v63  }
0x3a: {  	v3 =	vperm.xlane v3, v2  }
0x3b: {  	[hbm4b:s8+s2] =	stream.indirect_vreg.scatter [tilespmem:s19], [sflag:$0x1], $0x80, v4, vm0, $0xb8;
	[tilespmem:$0x10080] =	vst v63  }
0x3c: {  	v3 =	vadd.s32 v1, v3  }
0x3d: {  	[hbm4b:s9+s2] =	stream.indirect_vreg.scatter [tilespmem:s20], [sflag:$0x1], $0x80, v4, vm0, $0xb8;
	[tilespmem:$0x10080] =	vst v63  }
0x3e: {  	_ = 	snop  }
0x3f: {  	[hbm4b:s10+s2] =	stream.indirect_vreg.scatter [tilespmem:s26], [sflag:$0x1], $0x80, v4, vm0, $0xb8;
	[tilespmem:$0x10080] =	vst v63  }
0x40: {  	_ = 	snop  }
0x41: {  	[hbm4b:s6+s2] =	stream.indirect_vreg.scatter [tilespmem:s28], [sflag:$0x1], $0x80, v3, vm0, $0xb8;
	[tilespmem:$0x10080] =	vst v63  }
0x42: {  	_ = 	snop  }
0x43: {  	[hbm4b:s8+s2] =	stream.indirect_vreg.scatter [tilespmem:s29], [sflag:$0x1], $0x80, v3, vm0, $0xb8;
	[tilespmem:$0x10080] =	vst v63  }
0x44: {  	_ = 	snop  }
0x45: {  	[hbm4b:s9+s2] =	stream.indirect_vreg.scatter [tilespmem:s30], [sflag:$0x1], $0x80, v3, vm0, $0xb8;
	[tilespmem:$0x10080] =	vst v63  }
0x46: {  	_ = 	snop  }
0x47: {  	[hbm4b:s10+s2] =	stream.indirect_vreg.scatter [tilespmem:s31], [sflag:$0x1], $0x80, v3, vm0, $0xb8;
	[tilespmem:$0x10080] =	vst v63  }
0x48: {  	v3 =	vld [tilespmem:$0x20];
	_ =	sdelay $0x4  }
0x49: {  	v58 =	vshll.u32 v3, $0x3  }
0x4a: {  	v3 =	vand.u32 $0x7, v3;
	v4 =	vand.u32 $0xFFFFFFC0, v58  }
0x4b: {  	v3 =	vor.u32 v3, v4  }
0x4c: {  	v4 =	vperm.xlane v3, v0;
	_ =	sdelay $0x1  }
0x4d: {  	v4 =	vadd.s32 v1, v4;
	_ =	sdelay $0x3  }
0x4e: {  	s0 =	simm.s32 $0x8080  }
0x4f: {  	[hbm4b:s6+s2] =	stream.indirect_vreg.scatter [tilespmem:s0], [sflag:$0x1], $0x80, v4, vm0, $0xb8;
	[tilespmem:$0x10080] =	vst v63  }
0x50: {  	v3 =	vperm.xlane v3, v2  }
0x51: {  	[hbm4b:s8+s2] =	stream.indirect_vreg.scatter [tilespmem:s3], [sflag:$0x1], $0x80, v4, vm0, $0xb8;
	[tilespmem:$0x10080] =	vst v63  }
0x52: {  	v3 =	vadd.s32 v1, v3  }
0x53: {  	[hbm4b:s9+s2] =	stream.indirect_vreg.scatter [tilespmem:s11], [sflag:$0x1], $0x80, v4, vm0, $0xb8;
	[tilespmem:$0x10080] =	vst v63  }
0x54: {  	s1 =	simm.s32 $0x9880  }
0x55: {  	[hbm4b:s10+s2] =	stream.indirect_vreg.scatter [tilespmem:s1], [sflag:$0x1], $0x80, v4, vm0, $0xb8;
	[tilespmem:$0x10080] =	vst v63  }
0x56: {  	_ = 	snop  }
0x57: {  	[hbm4b:s6+s2] =	stream.indirect_vreg.scatter [tilespmem:s4], [sflag:$0x1], $0x80, v3, vm0, $0xb8;
	[tilespmem:$0x10080] =	vst v63  }
0x58: {  	_ = 	snop  }
0x59: {  	[hbm4b:s8+s2] =	stream.indirect_vreg.scatter [tilespmem:s23], [sflag:$0x1], $0x80, v3, vm0, $0xb8;
	[tilespmem:$0x10080] =	vst v63  }
0x5a: {  	_ = 	snop  }
0x5b: {  	[hbm4b:s9+s2] =	stream.indirect_vreg.scatter [tilespmem:s5], [sflag:$0x1], $0x80, v3, vm0, $0xb8;
	[tilespmem:$0x10080] =	vst v63  }
0x5c: {  	_ = 	snop  }
0x5d: {  	[hbm4b:s10+s2] =	stream.indirect_vreg.scatter [tilespmem:s12], [sflag:$0x1], $0x80, v3, vm0, $0xb8;
	[tilespmem:$0x10080] =	vst v63  }
0x5e: {  	v3 =	vld [tilespmem:$0x30];
	_ =	sdelay $0x4  }
0x5f: {  	v59 =	vshll.u32 v3, $0x3  }
0x60: {  	v3 =	vand.u32 $0x7, v3;
	v4 =	vand.u32 $0xFFFFFFC0, v59  }
0x61: {  	v3 =	vor.u32 v3, v4  }
0x62: {  	v4 =	vperm.xlane v3, v0;
	_ =	sdelay $0x1  }
0x63: {  	v4 =	vadd.s32 v1, v4;
	_ =	sdelay $0x3  }
0x64: {  	s22 =	simm.s32 $0xC080  }
0x65: {  	[hbm4b:s6+s2] =	stream.indirect_vreg.scatter [tilespmem:s22], [sflag:$0x1], $0x80, v4, vm0, $0xb8;
	[tilespmem:$0x10080] =	vst v63  }
0x66: {  	v3 =	vperm.xlane v3, v2;
	s22 =	simm.s32 $0xC880  }
0x67: {  	[hbm4b:s8+s2] =	stream.indirect_vreg.scatter [tilespmem:s22], [sflag:$0x1], $0x80, v4, vm0, $0xb8;
	[tilespmem:$0x10080] =	vst v63  }
0x68: {  	v3 =	vadd.s32 v1, v3;
	s22 =	simm.s32 $0xD080  }
0x69: {  	[hbm4b:s9+s2] =	stream.indirect_vreg.scatter [tilespmem:s22], [sflag:$0x1], $0x80, v4, vm0, $0xb8;
	[tilespmem:$0x10080] =	vst v63  }
0x6a: {  	s22 =	simm.s32 $0xD880  }
0x6b: {  	[hbm4b:s10+s2] =	stream.indirect_vreg.scatter [tilespmem:s22], [sflag:$0x1], $0x80, v4, vm0, $0xb8;
	[tilespmem:$0x10080] =	vst v63  }
0x6c: {  	s22 =	simm.s32 $0xE080  }
0x6d: {  	[hbm4b:s6+s2] =	stream.indirect_vreg.scatter [tilespmem:s22], [sflag:$0x1], $0x80, v3, vm0, $0xb8;
	[tilespmem:$0x10080] =	vst v63  }
0x6e: {  	s22 =	simm.s32 $0xE880  }
0x6f: {  	[hbm4b:s8+s2] =	stream.indirect_vreg.scatter [tilespmem:s22], [sflag:$0x1], $0x80, v3, vm0, $0xb8;
	[tilespmem:$0x10080] =	vst v63  }
0x70: {  	s22 =	simm.s32 $0xF080  }
0x71: {  	[hbm4b:s9+s2] =	stream.indirect_vreg.scatter [tilespmem:s22], [sflag:$0x1], $0x80, v3, vm0, $0xb8;
	[tilespmem:$0x10080] =	vst v63  }
0x72: {  	s22 =	simm.s32 $0xF880  }
0x73: {  	[hbm4b:s10+s2] =	stream.indirect_vreg.scatter [tilespmem:s22], [sflag:$0x1], $0x80, v3, vm0, $0xb8;
	[tilespmem:$0x10080] =	vst v63  }
0x74: {  	_ =	swait.ge [sflag:s13], $0x10000  }
0x75: {  	[sflag:s13] =	ssyncset.done $0x0;
	s22 =	rddreg [dreg:$0x4]  }
0x76: {  	[sflag:s13] =	ssyncadd.s32 $0xFFFF0000;
	s21 =	sadd.s32 s22, s21  }
0x77: {  	[tilespmem:s2], [sflag:$0x1] =	stream.linear.gather [hbm4b:s21+s2], $0x40, $0x38;
	[tilespmem:$0x10080] =	vst v63  }
0x78: {  	_ =	swait.ge [sflag:s13], $0x40  }
0x79: {  	[sflag:s13] =	ssyncset.done $0x0  }
0x7a: {  	[sflag:s13] =	ssyncadd.s32 $0xFFFFFFC0  }
0x7b: {  	v3 =	vld [tilespmem:$0x0];
	_ =	sdelay $0x4  }
0x7c: {  	v60 =	vshll.u32 v3, $0x3  }
0x7d: {  	v3 =	vand.u32 $0x7, v3;
	v4 =	vand.u32 $0xFFFFFFC0, v60  }
0x7e: {  	v3 =	vor.u32 v3, v4  }
0x7f: {  	v4 =	vperm.xlane v3, v0;
	_ =	sdelay $0x1  }
0x80: {  	v4 =	vadd.s32 v1, v4;
	_ =	sdelay $0x3  }
0x81: {  	s0 =	simm.s32 $0x80  }
0x82: {  	[hbm4b:s6+s2] =	stream.indirect_vreg.scatter [tilespmem:s0], [sflag:$0x1], $0x80, v4, vm0, $0xb8;
	[tilespmem:$0x10080] =	vst v63  }
0x83: {  	v3 =	vperm.xlane v3, v2  }
0x84: {  	[hbm4b:s8+s2] =	stream.indirect_vreg.scatter [tilespmem:s24], [sflag:$0x1], $0x80, v4, vm0, $0xb8;
	[tilespmem:$0x10080] =	vst v63  }
0x85: {  	v3 =	vadd.s32 v1, v3  }
0x86: {  	[hbm4b:s9+s2] =	stream.indirect_vreg.scatter [tilespmem:s7], [sflag:$0x1], $0x80, v4, vm0, $0xb8;
	[tilespmem:$0x10080] =	vst v63  }
0x87: {  	_ = 	snop  }
0x88: {  	[hbm4b:s10+s2] =	stream.indirect_vreg.scatter [tilespmem:s25], [sflag:$0x1], $0x80, v4, vm0, $0xb8;
	[tilespmem:$0x10080] =	vst v63  }
0x89: {  	_ = 	snop  }
0x8a: {  	[hbm4b:s6+s2] =	stream.indirect_vreg.scatter [tilespmem:s14], [sflag:$0x1], $0x80, v3, vm0, $0xb8;
	[tilespmem:$0x10080] =	vst v63  }
0x8b: {  	_ = 	snop  }
0x8c: {  	[hbm4b:s8+s2] =	stream.indirect_vreg.scatter [tilespmem:s15], [sflag:$0x1], $0x80, v3, vm0, $0xb8;
	[tilespmem:$0x10080] =	vst v63  }
0x8d: {  	_ = 	snop  }
0x8e: {  	[hbm4b:s9+s2] =	stream.indirect_vreg.scatter [tilespmem:s16], [sflag:$0x1], $0x80, v3, vm0, $0xb8;
	[tilespmem:$0x10080] =	vst v63  }
0x8f: {  	_ = 	snop  }
0x90: {  	[hbm4b:s10+s2] =	stream.indirect_vreg.scatter [tilespmem:s17], [sflag:$0x1], $0x80, v3, vm0, $0xb8;
	[tilespmem:$0x10080] =	vst v63  }
0x91: {  	v3 =	vld [tilespmem:$0x10];
	_ =	sdelay $0x4  }
0x92: {  	v61 =	vshll.u32 v3, $0x3  }
0x93: {  	v3 =	vand.u32 $0x7, v3;
	v4 =	vand.u32 $0xFFFFFFC0, v61  }
0x94: {  	v3 =	vor.u32 v3, v4  }
0x95: {  	v4 =	vperm.xlane v3, v0;
	_ =	sdelay $0x1  }
0x96: {  	v4 =	vadd.s32 v1, v4;
	_ =	sdelay $0x4  }
0x97: {  	[hbm4b:s6+s2] =	stream.indirect_vreg.scatter [tilespmem:s18], [sflag:$0x1], $0x80, v4, vm0, $0xb8;
	[tilespmem:$0x10080] =	vst v63  }
0x98: {  	v3 =	vperm.xlane v3, v2  }
0x99: {  	[hbm4b:s8+s2] =	stream.indirect_vreg.scatter [tilespmem:s19], [sflag:$0x1], $0x80, v4, vm0, $0xb8;
	[tilespmem:$0x10080] =	vst v63  }
0x9a: {  	v3 =	vadd.s32 v1, v3  }
0x9b: {  	[hbm4b:s9+s2] =	stream.indirect_vreg.scatter [tilespmem:s20], [sflag:$0x1], $0x80, v4, vm0, $0xb8;
	[tilespmem:$0x10080] =	vst v63  }
0x9c: {  	_ = 	snop  }
0x9d: {  	[hbm4b:s10+s2] =	stream.indirect_vreg.scatter [tilespmem:s26], [sflag:$0x1], $0x80, v4, vm0, $0xb8;
	[tilespmem:$0x10080] =	vst v63  }
0x9e: {  	_ = 	snop  }
0x9f: {  	[hbm4b:s6+s2] =	stream.indirect_vreg.scatter [tilespmem:s28], [sflag:$0x1], $0x80, v3, vm0, $0xb8;
	[tilespmem:$0x10080] =	vst v63  }
0xa0: {  	_ = 	snop  }
0xa1: {  	[hbm4b:s8+s2] =	stream.indirect_vreg.scatter [tilespmem:s29], [sflag:$0x1], $0x80, v3, vm0, $0xb8;
	[tilespmem:$0x10080] =	vst v63  }
0xa2: {  	_ = 	snop  }
0xa3: {  	[hbm4b:s9+s2] =	stream.indirect_vreg.scatter [tilespmem:s30], [sflag:$0x1], $0x80, v3, vm0, $0xb8;
	[tilespmem:$0x10080] =	vst v63  }
0xa4: {  	_ = 	snop  }
0xa5: {  	[hbm4b:s10+s2] =	stream.indirect_vreg.scatter [tilespmem:s31], [sflag:$0x1], $0x80, v3, vm0, $0xb8;
	[tilespmem:$0x10080] =	vst v63  }
0xa6: {  	v3 =	vld [tilespmem:$0x20];
	_ =	sdelay $0x4  }
0xa7: {  	v62 =	vshll.u32 v3, $0x3  }
0xa8: {  	v3 =	vand.u32 $0x7, v3;
	v4 =	vand.u32 $0xFFFFFFC0, v62  }
0xa9: {  	v3 =	vor.u32 v3, v4  }
0xaa: {  	v4 =	vperm.xlane v3, v0;
	_ =	sdelay $0x1  }
0xab: {  	v4 =	vadd.s32 v1, v4;
	_ =	sdelay $0x3  }
0xac: {  	s24 =	simm.s32 $0x8080  }
0xad: {  	[hbm4b:s6+s2] =	stream.indirect_vreg.scatter [tilespmem:s24], [sflag:$0x1], $0x80, v4, vm0, $0xb8;
	[tilespmem:$0x10080] =	vst v63  }
0xae: {  	v3 =	vperm.xlane v3, v2  }
0xaf: {  	[hbm4b:s8+s2] =	stream.indirect_vreg.scatter [tilespmem:s3], [sflag:$0x1], $0x80, v4, vm0, $0xb8;
	[tilespmem:$0x10080] =	vst v63  }
0xb0: {  	v3 =	vadd.s32 v1, v3  }
0xb1: {  	[hbm4b:s9+s2] =	stream.indirect_vreg.scatter [tilespmem:s11], [sflag:$0x1], $0x80, v4, vm0, $0xb8;
	[tilespmem:$0x10080] =	vst v63  }
0xb2: {  	_ = 	snop  }
0xb3: {  	[hbm4b:s10+s2] =	stream.indirect_vreg.scatter [tilespmem:s1], [sflag:$0x1], $0x80, v4, vm0, $0xb8;
	[tilespmem:$0x10080] =	vst v63  }
0xb4: {  	_ = 	snop  }
0xb5: {  	[hbm4b:s6+s2] =	stream.indirect_vreg.scatter [tilespmem:s4], [sflag:$0x1], $0x80, v3, vm0, $0xb8;
	[tilespmem:$0x10080] =	vst v63  }
0xb6: {  	_ = 	snop  }
0xb7: {  	[hbm4b:s8+s2] =	stream.indirect_vreg.scatter [tilespmem:s23], [sflag:$0x1], $0x80, v3, vm0, $0xb8;
	[tilespmem:$0x10080] =	vst v63  }
0xb8: {  	_ = 	snop  }
0xb9: {  	[hbm4b:s9+s2] =	stream.indirect_vreg.scatter [tilespmem:s5], [sflag:$0x1], $0x80, v3, vm0, $0xb8;
	[tilespmem:$0x10080] =	vst v63  }
0xba: {  	_ = 	snop  }
0xbb: {  	[hbm4b:s10+s2] =	stream.indirect_vreg.scatter [tilespmem:s12], [sflag:$0x1], $0x80, v3, vm0, $0xb8;
	[tilespmem:$0x10080] =	vst v63  }
0xbc: {  	v3 =	vld [tilespmem:$0x30];
	_ =	sdelay $0x4  }
0xbd: {  	v63 =	vshll.u32 v3, $0x3  }
0xbe: {  	v3 =	vand.u32 $0x7, v3;
	v4 =	vand.u32 $0xFFFFFFC0, v63  }
0xbf: {  	v3 =	vor.u32 v3, v4  }
0xc0: {  	v4 =	vperm.xlane v3, v0;
	_ =	sdelay $0x1  }
0xc1: {  	v4 =	vadd.s32 v1, v4;
	_ =	sdelay $0x3  }
0xc2: {  	s7 =	simm.s32 $0xC080  }
0xc3: {  	[hbm4b:s6+s2] =	stream.indirect_vreg.scatter [tilespmem:s7], [sflag:$0x1], $0x80, v4, vm0, $0xb8;
	[tilespmem:$0x10080] =	vst v63  }
0xc4: {  	s21 =	simm.s32 $0xC880;
	v3 =	vperm.xlane v3, v2  }
0xc5: {  	[hbm4b:s8+s2] =	stream.indirect_vreg.scatter [tilespmem:s21], [sflag:$0x1], $0x80, v4, vm0, $0xb8;
	[tilespmem:$0x10080] =	vst v63  }
0xc6: {  	s22 =	simm.s32 $0xD080;
	v3 =	vadd.s32 v1, v3  }
0xc7: {  	[hbm4b:s9+s2] =	stream.indirect_vreg.scatter [tilespmem:s22], [sflag:$0x1], $0x80, v4, vm0, $0xb8;
	[tilespmem:$0x10080] =	vst v63  }
0xc8: {  	s24 =	simm.s32 $0xD880  }
0xc9: {  	[hbm4b:s10+s2] =	stream.indirect_vreg.scatter [tilespmem:s24], [sflag:$0x1], $0x80, v4, vm0, $0xb8;
	[tilespmem:$0x10080] =	vst v63  }
0xca: {  	s7 =	simm.s32 $0xE080  }
0xcb: {  	[hbm4b:s6+s2] =	stream.indirect_vreg.scatter [tilespmem:s7], [sflag:$0x1], $0x80, v3, vm0, $0xb8;
	[tilespmem:$0x10080] =	vst v63  }
0xcc: {  	s21 =	simm.s32 $0xE880  }
0xcd: {  	[hbm4b:s8+s2] =	stream.indirect_vreg.scatter [tilespmem:s21], [sflag:$0x1], $0x80, v3, vm0, $0xb8;
	[tilespmem:$0x10080] =	vst v63  }
0xce: {  	p1 =	por p0, p0;
	s22 =	simm.s32 $0xF080  }
0xcf: {  	[hbm4b:s9+s2] =	stream.indirect_vreg.scatter [tilespmem:s22], [sflag:$0x1], $0x80, v3, vm0, $0xb8;
	[tilespmem:$0x10080] =	vst v63  }
.Ltmp0:
0xd0: {  	s24 =	simm.s32 $0xF880;
	(pc) =	sbr.rel @p1 .LBB2_2-.Ltmp0, $4  }
0xd1: {  	[hbm4b:s10+s2] =	stream.indirect_vreg.scatter [tilespmem:s24], [sflag:$0x1], $0x80, v3, vm0, $0xb8;
	[tilespmem:$0x10080] =	vst v63  }
0xd2: {  	_ =	swait.ge [sflag:s13], $0x10000  }
0xd3: {  	p0 =	por $0x0, $0x0;
	[sflag:s13] =	ssyncset.done $0x0  }
0xd4: {  	s1 =	simm.s32 $0x80;
	s21 =	simm.s32 $0x40;
	[sflag:s13] =	ssyncadd.s32 $0xFFFF0000  }
0xd5: {  	s0 =	rddreg [dreg:$0x7]  }
0xd6: {  	s21 =	rddreg [dreg:$0x6];
	s0 =	sadd.s32 $0x1, s0  }
0xd7: {  	p0 =	sne.s32 s0, s21  }
.Ltmp1:
0xd8: {  	_ = 	snop;
	(pc) =	sbr.rel @p0 .LBB2_1-.Ltmp1, $1  }
0xd9: {  	_ =	sdelay $0x3  }
0xda: {  	_ =	sfence.sel $0x180000  }
0xdb: {  	[bflag:$0x0] =	sbarrier.arrive $0xFFFF  }
0xdc: {  	_ =	strace $0x90000047  }
0xdd: {  	s0 =	stileid.u32;
	[bflag:$0x2] =	sbarrier.arrive $0xFFFF  }
0xde: {  	p0 =	sne.s32 s0, $0x0;
	s0 =	rddreg [dreg:$0x2]  }
0xdf: {  	s0 =	sadd.s32 @!p0 $0x100000, s0  }
0xe0: {  	[sflag:s0] =	ssyncadd.tile.s32 @!p0 $0x1;
	_ =	shalt  }
.Lfunc_end2:
_tile_overlayer_lowered:
.L_overlay_start_2:
0xe1: {  	(tag) =	ssettag $0x2  }
0xe2: {  	s0 =	rddreg [dreg:$0x0];
	s2 =	stileid.u32  }
0xe3: {  	s1 =	rddreg [dreg:$0x1];
	p0 =	sne.s32 s2, $0x0  }
0xe4: {  	s3 =	rddreg [dreg:$0x2];
	[bflag:$0x3] =	sbarrier.arrive $0xFFFF;
	s2 =	simm.s32 @!p0 $0x1C01  }
0xe5: {  	[timem:s3], [sflag:s2] =	dma.local @!p0 [hbm:s0], s1  }
0xe6: {  	s0 =	simm.s32 @!p0 $0x1  }
0xe7: {  	_ =	swait.ge @!p0 [sflag:s0], s1  }
0xe8: {  	s1 =	ssub.s32 @!p0 $0x0, s1;
	[sflag:s0] =	ssyncset.done @!p0 $0x0  }
0xe9: {  	[sflag:s0] =	ssyncadd.s32 @!p0 s1  }
0xea: {  	[bflag:$0x3] =	sbarrier.arrive $0xFFFF  }
0xeb: {  	_ =	shalt  }

</sc_bundles>
